<compile_context>
chip_gen: v7x
topology: tpu7x:2x2x1
jax: 0.10.2.dev20260603
libtpu: 0.0.44.dev20260713+nightly
codegen_flags: <defaults>
</compile_context>

<pallas_src>
import functools

import jax
import jax.numpy as jnp
from jax import lax
from jax.experimental import pallas as pl
from jax.experimental.pallas import tpu as pltpu
from jax.experimental.pallas import tpu_sc as plsc

_CTR = (((1,), (1,)), ((), ()))



def _mlp_table_kernel(n_nodes, x_ref, w1_ref, b1_ref, w2_ref, b2_ref,
                      ei_ref, et_ref, out_ref, gidx_ref, sidx_ref):
    xb = x_ref[...]
    h = lax.dot_general(xb, w1_ref[0], _CTR, preferred_element_type=jnp.float32)
    h = jnp.maximum(h + b1_ref[0], 0.0)
    y = lax.dot_general(h, w2_ref[0], _CTR, preferred_element_type=jnp.float32)
    out_ref[...] = y + b2_ref[0]

    @pl.when(jnp.logical_and(pl.program_id(0) == 0, pl.program_id(1) == 0))
    def _():
        src = ei_ref[0, :]
        dst = ei_ref[1, :]
        et = et_ref[0, :]
        gidx_ref[0, :] = et * n_nodes + src
        gidx_ref[1, :] = 2 * n_nodes + et * n_nodes + dst
        sidx_ref[0, :] = dst
        sidx_ref[1, :] = src


def _mlp_table(x, W1a, b1a, W2a, b2a, edge_index, edge_type, bn):
    n, d = x.shape
    e = edge_type.shape[0]
    nk = W1a.shape[0]
    grid = (nk, n // bn)
    full2 = pl.BlockSpec((2, e), lambda k, i: (0, 0))
    return pl.pallas_call(
        functools.partial(_mlp_table_kernel, n),
        grid=grid,
        in_specs=[
            pl.BlockSpec((bn, d), lambda k, i: (i, 0)),
            pl.BlockSpec((1, d, d), lambda k, i: (k, 0, 0)),
            pl.BlockSpec((1, 1, d), lambda k, i: (k, 0, 0)),
            pl.BlockSpec((1, d, d), lambda k, i: (k, 0, 0)),
            pl.BlockSpec((1, 1, d), lambda k, i: (k, 0, 0)),
            full2,
            pl.BlockSpec((1, e), lambda k, i: (0, 0)),
        ],
        out_specs=[
            pl.BlockSpec((bn, d), lambda k, i, _nb=n // bn: (k * _nb + i, 0)),
            full2,
            full2,
        ],
        out_shape=[
            jax.ShapeDtypeStruct((nk * n, d), jnp.float32),
            jax.ShapeDtypeStruct((2, e), jnp.int32),
            jax.ShapeDtypeStruct((2, e), jnp.int32),
        ],
    )(x, W1a, b1a.reshape(nk, 1, d), W2a, b2a.reshape(nk, 1, d),
      edge_index, edge_type.reshape(1, e))



def _make_sc_agg(n_pad, d, chunks, csz, n_sub):
    rpt = n_pad // n_sub
    mesh = plsc.VectorSubcoreMesh(core_axis_name="c", subcore_axis_name="s")

    @functools.partial(
        pl.kernel,
        mesh=mesh,
        out_type=jax.ShapeDtypeStruct((2, n_pad, d), jnp.float32),
        scratch_types=[
            pltpu.VMEM((2, chunks // 2, csz), jnp.int32),
            pltpu.VMEM((csz, d), jnp.float32),
            pltpu.VMEM((csz, d), jnp.float32),
            pltpu.SemaphoreType.DMA,
            pltpu.SemaphoreType.DMA,
            pltpu.VMEM_SHARED((n_pad, d), jnp.float32),
        ],
    )
    def sc_agg(yy_hbm, kidx_hbm, out_hbm,
               idx_v, rows0, rows1, semg0, semg1, acc):
        c = lax.axis_index("c")
        s = lax.axis_index("s")
        zstrip = min(csz - csz % 8, rpt)
        zv = jnp.zeros((16,), jnp.float32)

        def zrow(r, carry):
            def zcol(q, carry2):
                rows0[r, pl.ds(q * 16, 16)] = zv
                return carry2
            return lax.fori_loop(0, d // 16, zcol, carry)

        lax.fori_loop(0, zstrip, zrow, 0)
        nfull = rpt // zstrip
        tail = rpt - nfull * zstrip

        def zdma(k, carry):
            pltpu.sync_copy(rows0.at[pl.ds(0, zstrip)],
                            acc.at[pl.ds(s * rpt + k * zstrip, zstrip)])
            return carry

        lax.fori_loop(0, nfull, zdma, 0)
        if tail:
            pltpu.sync_copy(rows0.at[pl.ds(0, tail)],
                            acc.at[pl.ds(s * rpt + nfull * zstrip, tail)])
        plsc.subcore_barrier()

        pchunks = chunks // 2

        def phase(p, carry):
            pltpu.sync_copy(kidx_hbm.at[c, s, p], idx_v)
            pltpu.async_copy(yy_hbm.at[idx_v.at[0, 0]], rows0, semg0)

            def body(j, carry2):
                i = 2 * j
                pltpu.make_async_copy(yy_hbm.at[idx_v.at[0, i]], rows0,
                                      semg0).wait()
                pltpu.async_copy(yy_hbm.at[idx_v.at[0, i + 1]], rows1, semg1)
                pltpu.sync_copy(rows0, acc.at[idx_v.at[1, i]], add=True)
                pltpu.make_async_copy(yy_hbm.at[idx_v.at[0, i + 1]], rows1,
                                      semg1).wait()

                @pl.when(i + 2 < pchunks)
                def _():
                    pltpu.async_copy(yy_hbm.at[idx_v.at[0, i + 2]], rows0,
                                     semg0)

                pltpu.sync_copy(rows1, acc.at[idx_v.at[1, i + 1]], add=True)
                return carry2

            lax.fori_loop(0, pchunks // 2, body, 0)
            return carry

        lax.fori_loop(0, 2, phase, 0)
        plsc.subcore_barrier()
        pltpu.sync_copy(acc.at[pl.ds(s * rpt, rpt)],
                        out_hbm.at[c, pl.ds(s * rpt, rpt)])

    return sc_agg



def _finish_kernel(x_ref, aggs_ref, aggg_ref, ws_ref, bs_ref, wg_ref, bg_ref,
                   pw_ref, pb_ref, ow_ref, ob_ref, out_ref):
    xb = x_ref[...]
    hu = jnp.tanh(lax.dot_general(xb, ws_ref[...], _CTR,
                                  preferred_element_type=jnp.float32)
                  + bs_ref[...] + aggs_ref[0])
    hv = jnp.tanh(lax.dot_general(xb, wg_ref[...], _CTR,
                                  preferred_element_type=jnp.float32)
                  + bg_ref[...] + aggg_ref[0])
    gate = jax.nn.sigmoid(
        jnp.dot(hu, pw_ref[...], preferred_element_type=jnp.float32)
        + pb_ref[0, 0])
    h = gate * hu + (1.0 - gate) * hv
    out_ref[...] = jax.nn.sigmoid(
        jnp.dot(h, ow_ref[...], preferred_element_type=jnp.float32)
        + ob_ref[0, 0])


def _finish(x, aggs, Ws, bs, Wg, bg, pW, pb, oW, ob, bn):
    n, d = x.shape
    full = pl.BlockSpec((d, d), lambda i: (0, 0))
    row = pl.BlockSpec((1, d), lambda i: (0, 0))
    col = pl.BlockSpec((d, 1), lambda i: (0, 0))
    scal = pl.BlockSpec((1, 1), lambda i: (0, 0))
    blk = pl.BlockSpec((bn, d), lambda i: (i, 0))
    agg0 = pl.BlockSpec((1, bn, d), lambda i: (0, i, 0))
    agg1 = pl.BlockSpec((1, bn, d), lambda i: (1, i, 0))
    return pl.pallas_call(
        _finish_kernel,
        grid=(n // bn,),
        in_specs=[blk, agg0, agg1, full, row, full, row, col, scal, col,
                  scal],
        out_specs=pl.BlockSpec((bn, 1), lambda i: (i, 0)),
        out_shape=jax.ShapeDtypeStruct((n, 1), jnp.float32),
    )(x, aggs, aggs, Ws, bs.reshape(1, d), Wg, bg.reshape(1, d),
      pW.reshape(d, 1), pb.reshape(1, 1), oW.reshape(d, 1), ob.reshape(1, 1))



def kernel(x, edge_index, edge_type, W1_s, b1_s, W2_s, b2_s,
           W1_g, b1_g, W2_g, b2_g, Ws, bs, Wg, bg, pW, pb, oW, ob):
    n, d = x.shape
    e = edge_type.shape[0]
    n_sub = 16
    ept = e // n_sub
    csz = 125
    chunks = ept // csz

    W1a = jnp.concatenate([W1_s, W1_g], axis=0)
    b1a = jnp.concatenate([b1_s, b1_g], axis=0)
    W2a = jnp.concatenate([W2_s, W2_g], axis=0)
    b2a = jnp.concatenate([b2_s, b2_g], axis=0)

    yy, gidx, sidx = _mlp_table(x, W1a, b1a, W2a, b2a,
                                edge_index.astype(jnp.int32),
                                edge_type.astype(jnp.int32), bn=10000)
    gidx = gidx.reshape(2, n_sub, 2, 1, chunks // 2, csz)
    sidx = sidx.reshape(2, n_sub, 2, 1, chunks // 2, csz)
    kidx = jnp.concatenate([gidx, sidx], axis=3)
    n_pad = ((n + 8 * n_sub - 1) // (8 * n_sub)) * 8 * n_sub

    aggs = _make_sc_agg(n_pad, d, chunks, csz, n_sub)(yy, kidx)

    out = _finish(x, aggs, Ws, bs, Wg, bg, pW, pb, oW, ob, bn=10000)
    return out.reshape(n)

# --- scband reference (transcript-rebuilt; emitter-appended) ---
"""Pipeline reference for scband-dy-het-gnn-14001593385521 (READ-ONLY COPY).

The authoritative reference and input builder live on the scoring server;
editing this copy changes nothing except your own understanding.
"""

import jax, jax.numpy as jnp
import numpy as np

N, E, D = 10000, 160000, 128
NT = 2  # number of edge types (trusts, rates)


def _xavier(k, shape, gain=1.414):
    fan = shape[-1] + shape[-2]
    lim = gain * np.sqrt(6.0 / fan)
    return jax.random.uniform(k, shape, jnp.float32, -lim, lim)


def setup_inputs(seed: int = 0) -> dict:
    key = jax.random.key(seed)
    ks = jax.random.split(key, 24)
    stdv = 1.0 / np.sqrt(D)
    x = jax.random.normal(ks[0], (N, D), dtype=jnp.float32)
    edge_index = jax.random.randint(ks[1], (2, E), 0, N)
    edge_type = jax.random.randint(ks[2], (E,), 0, NT)
    # per-edge-type RelationNN MLPs (source side and target side), layer=1 -> Linear,ReLU,Linear
    W1_s = _xavier(ks[3], (NT, D, D))
    b1_s = jax.random.uniform(ks[4], (NT, D), jnp.float32, -stdv, stdv)
    W2_s = _xavier(ks[5], (NT, D, D))
    b2_s = jax.random.uniform(ks[6], (NT, D), jnp.float32, -stdv, stdv)
    W1_g = _xavier(ks[7], (NT, D, D))
    b1_g = jax.random.uniform(ks[8], (NT, D), jnp.float32, -stdv, stdv)
    W2_g = _xavier(ks[9], (NT, D, D))
    b2_g = jax.random.uniform(ks[10], (NT, D), jnp.float32, -stdv, stdv)
    # linear_s / linear_g combine layers
    Ws = _xavier(ks[11], (D, D))
    bs = jax.random.uniform(ks[12], (D,), jnp.float32, -stdv, stdv)
    Wg = _xavier(ks[13], (D, D))
    bg = jax.random.uniform(ks[14], (D,), jnp.float32, -stdv, stdv)
    # p gate and final scoring linear
    pW = jax.random.normal(ks[15], (D,), jnp.float32) * stdv
    pb = jnp.zeros((), jnp.float32)
    oW = jax.random.normal(ks[16], (D,), jnp.float32) * stdv
    ob = jnp.zeros((), jnp.float32)
    return {
        'x': x, 'edge_index': edge_index, 'edge_type': edge_type,
        'W1_s': W1_s, 'b1_s': b1_s, 'W2_s': W2_s, 'b2_s': b2_s,
        'W1_g': W1_g, 'b1_g': b1_g, 'W2_g': W2_g, 'b2_g': b2_g,
        'Ws': Ws, 'bs': bs, 'Wg': Wg, 'bg': bg,
        'pW': pW, 'pb': pb, 'oW': oW, 'ob': ob,
    }


def _mlp(h, W1, b1, W2, b2):
    return jnp.maximum(h @ W1.T + b1, 0.0) @ W2.T + b2


def reference(x, edge_index, edge_type, W1_s, b1_s, W2_s, b2_s,
              W1_g, b1_g, W2_g, b2_g, Ws, bs, Wg, bg, pW, pb, oW, ob):
    n_nodes = x.shape[0]
    src, dst = edge_index[0], edge_index[1]
    h_src = x[src]          # gather source embeddings [E, D]
    h_dst = x[dst]          # gather target embeddings [E, D]
    msg_s = jnp.zeros_like(h_src)
    msg_g = jnp.zeros_like(h_dst)
    for t in range(NT):     # per-edge-type RelationNN MLPs
        sel = (edge_type == t)[:, None]
        msg_s = jnp.where(sel, _mlp(h_src, W1_s[t], b1_s[t], W2_s[t], b2_s[t]), msg_s)
        msg_g = jnp.where(sel, _mlp(h_dst, W1_g[t], b1_g[t], W2_g[t], b2_g[t]), msg_g)
    # scatter-add aggregation (SparseCore-friendly segment_sum)
    agg_s = jax.ops.segment_sum(msg_s, dst, num_segments=n_nodes)
    agg_g = jax.ops.segment_sum(msg_g, src, num_segments=n_nodes)
    h_u = jnp.tanh(x @ Ws.T + bs + agg_s)   # cfg['act'] = Tanh
    h_v = jnp.tanh(x @ Wg.T + bg + agg_g)
    gate = jax.nn.sigmoid(h_u @ pW + pb)    # p(.) scalar gate
    h = gate[:, None] * h_u + (1.0 - gate)[:, None] * h_v
    out = jax.nn.sigmoid(h @ oW + ob)       # self.sigmoid(self.linear(h)) -> [N]
    return out

if __name__ == "__main__":
    import jax
    _d = setup_inputs()
    print(jax.jit(kernel)(*tuple(_d.values())))

</pallas_src>

<mosaic_0001>
#map = affine_map<(d0, d1) -> (0, 0)>
#map1 = affine_map<(d0, d1) -> (0, 0, 0, 0, 0, 0)>
#map2 = affine_map<(d0, d1) -> (0, 0, 0)>
module attributes {stable_mosaic.version = 14 : i64} {
  func.func @sc_agg(%arg0: i32, %arg1: i32, %arg2: memref<40000x128xf32, #tpu.memory_space<hbm>>, %arg3: memref<2x16x2x2x40x125xi32, #tpu.memory_space<hbm>>, %arg4: memref<2x10112x128xf32, #tpu.memory_space<hbm>>, %arg5: memref<2x40x125xi32, #tpu.memory_space<vmem>>, %arg6: memref<125x128xf32, #tpu.memory_space<vmem>>, %arg7: memref<125x128xf32, #tpu.memory_space<vmem>>, %arg8: memref<!tpu.dma_semaphore, #tpu.memory_space<semaphore_mem>>, %arg9: memref<!tpu.dma_semaphore, #tpu.memory_space<semaphore_mem>>, %arg10: memref<10112x128xf32, #tpu.memory_space<vmem_shared>>) attributes {dimension_semantics = [#tpu.dimension_semantics<core_parallel>, #tpu.dimension_semantics<subcore_parallel>], iteration_bounds = array<i64: 2, 16>, scalar_prefetch = 0 : i64, scratch_operands = 6 : i64, tpu.core_type = #tpu.core_type<sc_vector_subcore>, window_params = [{transform_indices = #map}, {transform_indices = #map1}, {transform_indices = #map2}]} {
    %broadcast_in_dim3A = arith.constant 0.000000e+00 : f32
    %broadcast_in_dim3A_0 = vector.broadcast %broadcast_in_dim3A : f32 to vector<16xf32>
    %scan3A = arith.constant 0 : i32
    %scan3A_1 = arith.constant 0 : i32
    %scan3A_2 = arith.constant 120 : i32
    %scan3A_3 = arith.addi %scan3A_1, %scan3A_2 : i32
    %scan3A_4 = arith.constant 1 : i32
    scf.for %scan3A_25 = %scan3A_1 to %scan3A_3 step %scan3A_4  : i32 {
      %scan3A_26 = arith.constant 0 : i32
      %scan3A_27 = arith.constant 8 : i32
      %scan3A_28 = arith.addi %scan3A_26, %scan3A_27 : i32
      %scan3A_29 = arith.constant 1 : i32
      scf.for %scan3A_31 = %scan3A_26 to %scan3A_28 step %scan3A_29  : i32 {
        %mul3A_32 = arith.constant 16 : i32
        %mul3A_33 = arith.muli %scan3A_31, %mul3A_32 : i32
        %swap3A = arith.index_cast %scan3A_25 : i32 to index
        %swap3A_34 = arith.index_cast %mul3A_33 : i32 to index
        %swap3A_35 = tpu.vector_load %arg6[%swap3A, %swap3A_34] {strides = array<i32>} : memref<125x128xf32, #tpu.memory_space<vmem>>, vector<1x16xf32>,
        %swap3A_36 = vector.shape_cast %swap3A_35 : vector<1x16xf32> to vector<16xf32>
        %swap3A_37 = vector.shape_cast %broadcast_in_dim3A_0 : vector<16xf32> to vector<1x16xf32>
        tpu.vector_store %arg6[%swap3A, %swap3A_34], %swap3A_37 {strides = array<i32>} : memref<125x128xf32, #tpu.memory_space<vmem>>, vector<1x16xf32>,
      }
      %scan3A_30 = arith.constant 8 : i32
    }
    %scan3A_5 = arith.constant 120 : i32
    %scan3A_6 = arith.constant 0 : i32
    %scan3A_7 = arith.constant 0 : i32
    %scan3A_8 = arith.constant 5 : i32
    %scan3A_9 = arith.addi %scan3A_7, %scan3A_8 : i32
    %scan3A_10 = arith.constant 1 : i32
    scf.for %scan3A_25 = %scan3A_7 to %scan3A_9 step %scan3A_10  : i32 {
      %mul3A_26 = arith.constant 632 : i32
      %mul3A_27 = arith.muli %arg1, %mul3A_26 : i32
      %mul3A_28 = arith.constant 120 : i32
      %mul3A_29 = arith.muli %scan3A_25, %mul3A_28 : i32
      %add3A_30 = arith.addi %mul3A_27, %mul3A_29 : i32
      "tpu.region"() ({
        %run_scoped3A = tpu.sem_alloc : memref<!tpu.dma_semaphore, #tpu.memory_space<semaphore_mem>>
        %dma_start3A = arith.constant 0 : i32
        %dma_start3A_31 = arith.constant 0 : i32
        %dma_start3A_32 = tpu.memref_slice %arg6[%dma_start3A, %dma_start3A_31] : memref<125x128xf32, #tpu.memory_space<vmem>> -> memref<120x128xf32, #tpu.memory_space<vmem>>
        %dma_start3A_33 = arith.constant 0 : i32
        %dma_start3A_34 = tpu.memref_slice %arg10[%add3A_30, %dma_start3A_33] : memref<10112x128xf32, #tpu.memory_space<vmem_shared>> -> memref<120x128xf32, #tpu.memory_space<vmem_shared>>
        %dma_start3A_35 = arith.constant 0 : i32
        %dma_start3A_36 = tpu.memref_slice %arg10[%add3A_30, %dma_start3A_35] : memref<10112x128xf32, #tpu.memory_space<vmem_shared>> -> memref<120x128xf32, #tpu.memory_space<vmem_shared>>
        %dma_start3A_37 = arith.constant 0 : i32
        %dma_start3A_38 = arith.constant 0 : i32
        %dma_start3A_39 = tpu.memref_slice %arg6[%dma_start3A_37, %dma_start3A_38] : memref<125x128xf32, #tpu.memory_space<vmem>> -> memref<120x128xf32, #tpu.memory_space<vmem>>
        tpu.enqueue_dma source(%dma_start3A_39 : memref<120x128xf32, #tpu.memory_space<vmem>>) target(%dma_start3A_36 : memref<120x128xf32, #tpu.memory_space<vmem_shared>>) target_semaphore(%run_scoped3A : memref<!tpu.dma_semaphore, #tpu.memory_space<semaphore_mem>>)
        %dma_wait3A = arith.constant 0 : i32
        %dma_wait3A_40 = arith.constant 0 : i32
        %dma_wait3A_41 = tpu.memref_slice %arg6[%dma_wait3A, %dma_wait3A_40] : memref<125x128xf32, #tpu.memory_space<vmem>> -> memref<120x128xf32, #tpu.memory_space<vmem>>
        %dma_wait3A_42 = arith.constant 0 : i32
        %dma_wait3A_43 = tpu.memref_slice %arg10[%add3A_30, %dma_wait3A_42] : memref<10112x128xf32, #tpu.memory_space<vmem_shared>> -> memref<120x128xf32, #tpu.memory_space<vmem_shared>>
        %dma_wait3A_44 = arith.constant 0 : i32
        %dma_wait3A_45 = tpu.memref_slice %arg10[%add3A_30, %dma_wait3A_44] : memref<10112x128xf32, #tpu.memory_space<vmem_shared>> -> memref<120x128xf32, #tpu.memory_space<vmem_shared>>
        %dma_wait3A_46 = arith.constant 0 : i32
        %dma_wait3A_47 = arith.constant 0 : i32
        %dma_wait3A_48 = tpu.memref_slice %arg6[%dma_wait3A_46, %dma_wait3A_47] : memref<125x128xf32, #tpu.memory_space<vmem>> -> memref<120x128xf32, #tpu.memory_space<vmem>>
        tpu.wait_dma2 semaphore(%run_scoped3A : memref<!tpu.dma_semaphore, #tpu.memory_space<semaphore_mem>>) src(%dma_wait3A_48 : memref<120x128xf32, #tpu.memory_space<vmem>>) dst(%dma_wait3A_45 : memref<120x128xf32, #tpu.memory_space<vmem_shared>>)
        tpu.yield
      }) : () -> ()
    }
    %scan3A_11 = arith.constant 5 : i32
    %mul3A = arith.constant 632 : i32
    %mul3A_12 = arith.muli %arg1, %mul3A : i32
    %add3A = arith.constant 600 : i32
    %add3A_13 = arith.addi %mul3A_12, %add3A : i32
    "tpu.region"() ({
      %run_scoped3A = tpu.sem_alloc : memref<!tpu.dma_semaphore, #tpu.memory_space<semaphore_mem>>
      %dma_start3A = arith.constant 0 : i32
      %dma_start3A_25 = arith.constant 0 : i32
      %dma_start3A_26 = tpu.memref_slice %arg6[%dma_start3A, %dma_start3A_25] : memref<125x128xf32, #tpu.memory_space<vmem>> -> memref<32x128xf32, #tpu.memory_space<vmem>>
      %dma_start3A_27 = arith.constant 0 : i32
      %dma_start3A_28 = tpu.memref_slice %arg10[%add3A_13, %dma_start3A_27] : memref<10112x128xf32, #tpu.memory_space<vmem_shared>> -> memref<32x128xf32, #tpu.memory_space<vmem_shared>>
      %dma_start3A_29 = arith.constant 0 : i32
      %dma_start3A_30 = tpu.memref_slice %arg10[%add3A_13, %dma_start3A_29] : memref<10112x128xf32, #tpu.memory_space<vmem_shared>> -> memref<32x128xf32, #tpu.memory_space<vmem_shared>>
      %dma_start3A_31 = arith.constant 0 : i32
      %dma_start3A_32 = arith.constant 0 : i32
      %dma_start3A_33 = tpu.memref_slice %arg6[%dma_start3A_31, %dma_start3A_32] : memref<125x128xf32, #tpu.memory_space<vmem>> -> memref<32x128xf32, #tpu.memory_space<vmem>>
      tpu.enqueue_dma source(%dma_start3A_33 : memref<32x128xf32, #tpu.memory_space<vmem>>) target(%dma_start3A_30 : memref<32x128xf32, #tpu.memory_space<vmem_shared>>) target_semaphore(%run_scoped3A : memref<!tpu.dma_semaphore, #tpu.memory_space<semaphore_mem>>)
      %dma_wait3A = arith.constant 0 : i32
      %dma_wait3A_34 = arith.constant 0 : i32
      %dma_wait3A_35 = tpu.memref_slice %arg6[%dma_wait3A, %dma_wait3A_34] : memref<125x128xf32, #tpu.memory_space<vmem>> -> memref<32x128xf32, #tpu.memory_space<vmem>>
      %dma_wait3A_36 = arith.constant 0 : i32
      %dma_wait3A_37 = tpu.memref_slice %arg10[%add3A_13, %dma_wait3A_36] : memref<10112x128xf32, #tpu.memory_space<vmem_shared>> -> memref<32x128xf32, #tpu.memory_space<vmem_shared>>
      %dma_wait3A_38 = arith.constant 0 : i32
      %dma_wait3A_39 = tpu.memref_slice %arg10[%add3A_13, %dma_wait3A_38] : memref<10112x128xf32, #tpu.memory_space<vmem_shared>> -> memref<32x128xf32, #tpu.memory_space<vmem_shared>>
      %dma_wait3A_40 = arith.constant 0 : i32
      %dma_wait3A_41 = arith.constant 0 : i32
      %dma_wait3A_42 = tpu.memref_slice %arg6[%dma_wait3A_40, %dma_wait3A_41] : memref<125x128xf32, #tpu.memory_space<vmem>> -> memref<32x128xf32, #tpu.memory_space<vmem>>
      tpu.wait_dma2 semaphore(%run_scoped3A : memref<!tpu.dma_semaphore, #tpu.memory_space<semaphore_mem>>) src(%dma_wait3A_42 : memref<32x128xf32, #tpu.memory_space<vmem>>) dst(%dma_wait3A_39 : memref<32x128xf32, #tpu.memory_space<vmem_shared>>)
      tpu.yield
    }) : () -> ()
    %barrier3A = arith.constant 0 : index
    tpu.barrier barrier_id(%barrier3A)
    %scan3A_14 = arith.constant 0 : i32
    %scan3A_15 = arith.constant 0 : i32
    %scan3A_16 = arith.constant 2 : i32
    %scan3A_17 = arith.addi %scan3A_15, %scan3A_16 : i32
    %scan3A_18 = arith.constant 1 : i32
    scf.for %scan3A_25 = %scan3A_15 to %scan3A_17 step %scan3A_18  : i32 {
      "tpu.region"() ({
        %run_scoped3A = tpu.sem_alloc : memref<!tpu.dma_semaphore, #tpu.memory_space<semaphore_mem>>
        %dma_start3A_39 = arith.constant 0 : i32
        %dma_start3A_40 = arith.constant 0 : i32
        %dma_start3A_41 = arith.constant 0 : i32
        %dma_start3A_42 = tpu.memref_slice %arg3[%arg0, %arg1, %scan3A_25, %dma_start3A_39, %dma_start3A_40, %dma_start3A_41] : memref<2x16x2x2x40x125xi32, #tpu.memory_space<hbm>> -> memref<1x1x1x2x40x125xi32, #tpu.memory_space<hbm>>
        %dma_start3A_43 = tpu.memref_squeeze %dma_start3A_42 : memref<1x1x1x2x40x125xi32, #tpu.memory_space<hbm>> -> memref<2x40x125xi32, #tpu.memory_space<hbm>>
        %dma_start3A_44 = arith.constant 0 : i32
        %dma_start3A_45 = arith.constant 0 : i32
        %dma_start3A_46 = arith.constant 0 : i32
        %dma_start3A_47 = tpu.memref_slice %arg3[%arg0, %arg1, %scan3A_25, %dma_start3A_44, %dma_start3A_45, %dma_start3A_46] : memref<2x16x2x2x40x125xi32, #tpu.memory_space<hbm>> -> memref<1x1x1x2x40x125xi32, #tpu.memory_space<hbm>>
        %dma_start3A_48 = tpu.memref_squeeze %dma_start3A_47 : memref<1x1x1x2x40x125xi32, #tpu.memory_space<hbm>> -> memref<2x40x125xi32, #tpu.memory_space<hbm>>
        tpu.enqueue_dma source(%dma_start3A_48 : memref<2x40x125xi32, #tpu.memory_space<hbm>>) target(%arg5 : memref<2x40x125xi32, #tpu.memory_space<vmem>>) target_semaphore(%run_scoped3A : memref<!tpu.dma_semaphore, #tpu.memory_space<semaphore_mem>>)
        %dma_wait3A = arith.constant 0 : i32
        %dma_wait3A_49 = arith.constant 0 : i32
        %dma_wait3A_50 = arith.constant 0 : i32
        %dma_wait3A_51 = tpu.memref_slice %arg3[%arg0, %arg1, %scan3A_25, %dma_wait3A, %dma_wait3A_49, %dma_wait3A_50] : memref<2x16x2x2x40x125xi32, #tpu.memory_space<hbm>> -> memref<1x1x1x2x40x125xi32, #tpu.memory_space<hbm>>
        %dma_wait3A_52 = tpu.memref_squeeze %dma_wait3A_51 : memref<1x1x1x2x40x125xi32, #tpu.memory_space<hbm>> -> memref<2x40x125xi32, #tpu.memory_space<hbm>>
        %dma_wait3A_53 = arith.constant 0 : i32
        %dma_wait3A_54 = arith.constant 0 : i32
        %dma_wait3A_55 = arith.constant 0 : i32
        %dma_wait3A_56 = tpu.memref_slice %arg3[%arg0, %arg1, %scan3A_25, %dma_wait3A_53, %dma_wait3A_54, %dma_wait3A_55] : memref<2x16x2x2x40x125xi32, #tpu.memory_space<hbm>> -> memref<1x1x1x2x40x125xi32, #tpu.memory_space<hbm>>
        %dma_wait3A_57 = tpu.memref_squeeze %dma_wait3A_56 : memref<1x1x1x2x40x125xi32, #tpu.memory_space<hbm>> -> memref<2x40x125xi32, #tpu.memory_space<hbm>>
        tpu.wait_dma2 semaphore(%run_scoped3A : memref<!tpu.dma_semaphore, #tpu.memory_space<semaphore_mem>>) src(%dma_wait3A_57 : memref<2x40x125xi32, #tpu.memory_space<hbm>>) dst(%arg5 : memref<2x40x125xi32, #tpu.memory_space<vmem>>)
        tpu.yield
      }) : () -> ()
      %dma_start3A = arith.constant 0 : i32
      %dma_start3A_26 = arith.constant 0 : i32
      %dma_start3A_27 = arith.constant 0 : i32
      %dma_start3A_28 = tpu.memref_slice %arg5[%dma_start3A, %dma_start3A_26, %dma_start3A_27] : memref<2x40x125xi32, #tpu.memory_space<vmem>> -> memref<1x1x125xi32, #tpu.memory_space<vmem>>
      %dma_start3A_29 = tpu.memref_squeeze %dma_start3A_28 : memref<1x1x125xi32, #tpu.memory_space<vmem>> -> memref<125xi32, #tpu.memory_space<vmem>>
      %dma_start3A_30 = arith.constant 0 : i32
      %dma_start3A_31 = arith.constant 0 : i32
      %dma_start3A_32 = tpu.memref_slice %arg2[%dma_start3A_30, %dma_start3A_31] : memref<40000x128xf32, #tpu.memory_space<hbm>> -> memref<40000x128xf32, #tpu.memory_space<hbm>>
      tpu.enqueue_indirect_dma source(%dma_start3A_32 : memref<40000x128xf32, #tpu.memory_space<hbm>>) target(%arg6 : memref<125x128xf32, #tpu.memory_space<vmem>>) offsets(%dma_start3A_29 : memref<125xi32, #tpu.memory_space<vmem>>) semaphore(%arg8 : memref<!tpu.dma_semaphore, #tpu.memory_space<semaphore_mem>>)
      %scan3A_33 = arith.constant 0 : i32
      %scan3A_34 = arith.constant 0 : i32
      %scan3A_35 = arith.constant 20 : i32
      %scan3A_36 = arith.addi %scan3A_34, %scan3A_35 : i32
      %scan3A_37 = arith.constant 1 : i32
      scf.for %scan3A_39 = %scan3A_34 to %scan3A_36 step %scan3A_37  : i32 {
        %mul3A_40 = arith.constant 2 : i32
        %mul3A_41 = arith.muli %mul3A_40, %scan3A_39 : i32
        %dma_wait3A = arith.constant 0 : i32
        %dma_wait3A_42 = arith.constant 0 : i32
        %dma_wait3A_43 = tpu.memref_slice %arg5[%dma_wait3A, %mul3A_41, %dma_wait3A_42] : memref<2x40x125xi32, #tpu.memory_space<vmem>> -> memref<1x1x125xi32, #tpu.memory_space<vmem>>
        %dma_wait3A_44 = tpu.memref_squeeze %dma_wait3A_43 : memref<1x1x125xi32, #tpu.memory_space<vmem>> -> memref<125xi32, #tpu.memory_space<vmem>>
        %dma_wait3A_45 = arith.constant 0 : i32
        %dma_wait3A_46 = arith.constant 0 : i32
        %dma_wait3A_47 = tpu.memref_slice %arg2[%dma_wait3A_45, %dma_wait3A_46] : memref<40000x128xf32, #tpu.memory_space<hbm>> -> memref<40000x128xf32, #tpu.memory_space<hbm>>
        tpu.wait_indirect_dma semaphore(%arg8 : memref<!tpu.dma_semaphore, #tpu.memory_space<semaphore_mem>>) src(%dma_wait3A_47 : memref<40000x128xf32, #tpu.memory_space<hbm>>) dst(%arg6 : memref<125x128xf32, #tpu.memory_space<vmem>>)
        %add3A_48 = arith.constant 1 : i32
        %add3A_49 = arith.addi %mul3A_41, %add3A_48 : i32
        %dma_start3A_50 = arith.constant 0 : i32
        %dma_start3A_51 = arith.constant 0 : i32
        %dma_start3A_52 = tpu.memref_slice %arg5[%dma_start3A_50, %add3A_49, %dma_start3A_51] : memref<2x40x125xi32, #tpu.memory_space<vmem>> -> memref<1x1x125xi32, #tpu.memory_space<vmem>>
        %dma_start3A_53 = tpu.memref_squeeze %dma_start3A_52 : memref<1x1x125xi32, #tpu.memory_space<vmem>> -> memref<125xi32, #tpu.memory_space<vmem>>
        %dma_start3A_54 = arith.constant 0 : i32
        %dma_start3A_55 = arith.constant 0 : i32
        %dma_start3A_56 = tpu.memref_slice %arg2[%dma_start3A_54, %dma_start3A_55] : memref<40000x128xf32, #tpu.memory_space<hbm>> -> memref<40000x128xf32, #tpu.memory_space<hbm>>
        tpu.enqueue_indirect_dma source(%dma_start3A_56 : memref<40000x128xf32, #tpu.memory_space<hbm>>) target(%arg7 : memref<125x128xf32, #tpu.memory_space<vmem>>) offsets(%dma_start3A_53 : memref<125xi32, #tpu.memory_space<vmem>>) semaphore(%arg9 : memref<!tpu.dma_semaphore, #tpu.memory_space<semaphore_mem>>)
        %run_scoped3A = arith.constant 1 : i32
        "tpu.region"() ({
          %run_scoped3A_73 = tpu.sem_alloc : memref<!tpu.dma_semaphore, #tpu.memory_space<semaphore_mem>>
          %dma_start3A_74 = arith.constant 0 : i32
          %dma_start3A_75 = tpu.memref_slice %arg5[%run_scoped3A, %mul3A_41, %dma_start3A_74] : memref<2x40x125xi32, #tpu.memory_space<vmem>> -> memref<1x1x125xi32, #tpu.memory_space<vmem>>
          %dma_start3A_76 = tpu.memref_squeeze %dma_start3A_75 : memref<1x1x125xi32, #tpu.memory_space<vmem>> -> memref<125xi32, #tpu.memory_space<vmem>>
          %dma_start3A_77 = arith.constant 0 : i32
          %dma_start3A_78 = arith.constant 0 : i32
          %dma_start3A_79 = tpu.memref_slice %arg10[%dma_start3A_77, %dma_start3A_78] : memref<10112x128xf32, #tpu.memory_space<vmem_shared>> -> memref<10112x128xf32, #tpu.memory_space<vmem_shared>>
          tpu.enqueue_indirect_dma source(%arg6 : memref<125x128xf32, #tpu.memory_space<vmem>>) target(%dma_start3A_79 : memref<10112x128xf32, #tpu.memory_space<vmem_shared>>) offsets(%dma_start3A_76 : memref<125xi32, #tpu.memory_space<vmem>>) semaphore(%run_scoped3A_73 : memref<!tpu.dma_semaphore, #tpu.memory_space<semaphore_mem>>) {add = true}
          %dma_wait3A_80 = arith.constant 0 : i32
          %dma_wait3A_81 = tpu.memref_slice %arg5[%run_scoped3A, %mul3A_41, %dma_wait3A_80] : memref<2x40x125xi32, #tpu.memory_space<vmem>> -> memref<1x1x125xi32, #tpu.memory_space<vmem>>
          %dma_wait3A_82 = tpu.memref_squeeze %dma_wait3A_81 : memref<1x1x125xi32, #tpu.memory_space<vmem>> -> memref<125xi32, #tpu.memory_space<vmem>>
          %dma_wait3A_83 = arith.constant 0 : i32
          %dma_wait3A_84 = arith.constant 0 : i32
          %dma_wait3A_85 = tpu.memref_slice %arg10[%dma_wait3A_83, %dma_wait3A_84] : memref<10112x128xf32, #tpu.memory_space<vmem_shared>> -> memref<10112x128xf32, #tpu.memory_space<vmem_shared>>
          tpu.wait_indirect_dma semaphore(%run_scoped3A_73 : memref<!tpu.dma_semaphore, #tpu.memory_space<semaphore_mem>>) src(%arg6 : memref<125x128xf32, #tpu.memory_space<vmem>>) dst(%dma_wait3A_85 : memref<10112x128xf32, #tpu.memory_space<vmem_shared>>)
          tpu.yield
        }) : () -> ()
        %add3A_57 = arith.constant 1 : i32
        %add3A_58 = arith.addi %mul3A_41, %add3A_57 : i32
        %dma_wait3A_59 = arith.constant 0 : i32
        %dma_wait3A_60 = arith.constant 0 : i32
        %dma_wait3A_61 = tpu.memref_slice %arg5[%dma_wait3A_59, %add3A_58, %dma_wait3A_60] : memref<2x40x125xi32, #tpu.memory_space<vmem>> -> memref<1x1x125xi32, #tpu.memory_space<vmem>>
        %dma_wait3A_62 = tpu.memref_squeeze %dma_wait3A_61 : memref<1x1x125xi32, #tpu.memory_space<vmem>> -> memref<125xi32, #tpu.memory_space<vmem>>
        %dma_wait3A_63 = arith.constant 0 : i32
        %dma_wait3A_64 = arith.constant 0 : i32
        %dma_wait3A_65 = tpu.memref_slice %arg2[%dma_wait3A_63, %dma_wait3A_64] : memref<40000x128xf32, #tpu.memory_space<hbm>> -> memref<40000x128xf32, #tpu.memory_space<hbm>>
        tpu.wait_indirect_dma semaphore(%arg9 : memref<!tpu.dma_semaphore, #tpu.memory_space<semaphore_mem>>) src(%dma_wait3A_65 : memref<40000x128xf32, #tpu.memory_space<hbm>>) dst(%arg7 : memref<125x128xf32, #tpu.memory_space<vmem>>)
        %add3A_66 = arith.constant 2 : i32
        %add3A_67 = arith.addi %mul3A_41, %add3A_66 : i32
        %lt3A = arith.constant 40 : i32
        %lt3A_68 = arith.cmpi slt, %add3A_67, %lt3A : i32
        %convert_element_type3A = arith.extui %lt3A_68 : i1 to i32
        %cond3A = arith.constant 0 : i32
        %cond3A_69 = arith.cmpi ne, %convert_element_type3A, %cond3A : i32
        scf.if %cond3A_69 {
          %add3A_73 = arith.constant 2 : i32
          %add3A_74 = arith.addi %mul3A_41, %add3A_73 : i32
          %dma_start3A_75 = arith.constant 0 : i32
          %dma_start3A_76 = arith.constant 0 : i32
          %dma_start3A_77 = tpu.memref_slice %arg5[%dma_start3A_75, %add3A_74, %dma_start3A_76] : memref<2x40x125xi32, #tpu.memory_space<vmem>> -> memref<1x1x125xi32, #tpu.memory_space<vmem>>
          %dma_start3A_78 = tpu.memref_squeeze %dma_start3A_77 : memref<1x1x125xi32, #tpu.memory_space<vmem>> -> memref<125xi32, #tpu.memory_space<vmem>>
          %dma_start3A_79 = arith.constant 0 : i32
          %dma_start3A_80 = arith.constant 0 : i32
          %dma_start3A_81 = tpu.memref_slice %arg2[%dma_start3A_79, %dma_start3A_80] : memref<40000x128xf32, #tpu.memory_space<hbm>> -> memref<40000x128xf32, #tpu.memory_space<hbm>>
          tpu.enqueue_indirect_dma source(%dma_start3A_81 : memref<40000x128xf32, #tpu.memory_space<hbm>>) target(%arg6 : memref<125x128xf32, #tpu.memory_space<vmem>>) offsets(%dma_start3A_78 : memref<125xi32, #tpu.memory_space<vmem>>) semaphore(%arg8 : memref<!tpu.dma_semaphore, #tpu.memory_space<semaphore_mem>>)
        } else {
        }
        %add3A_70 = arith.constant 1 : i32
        %add3A_71 = arith.addi %mul3A_41, %add3A_70 : i32
        %run_scoped3A_72 = arith.constant 1 : i32
        "tpu.region"() ({
          %run_scoped3A_73 = tpu.sem_alloc : memref<!tpu.dma_semaphore, #tpu.memory_space<semaphore_mem>>
          %dma_start3A_74 = arith.constant 0 : i32
          %dma_start3A_75 = tpu.memref_slice %arg5[%run_scoped3A_72, %add3A_71, %dma_start3A_74] : memref<2x40x125xi32, #tpu.memory_space<vmem>> -> memref<1x1x125xi32, #tpu.memory_space<vmem>>
          %dma_start3A_76 = tpu.memref_squeeze %dma_start3A_75 : memref<1x1x125xi32, #tpu.memory_space<vmem>> -> memref<125xi32, #tpu.memory_space<vmem>>
          %dma_start3A_77 = arith.constant 0 : i32
          %dma_start3A_78 = arith.constant 0 : i32
          %dma_start3A_79 = tpu.memref_slice %arg10[%dma_start3A_77, %dma_start3A_78] : memref<10112x128xf32, #tpu.memory_space<vmem_shared>> -> memref<10112x128xf32, #tpu.memory_space<vmem_shared>>
          tpu.enqueue_indirect_dma source(%arg7 : memref<125x128xf32, #tpu.memory_space<vmem>>) target(%dma_start3A_79 : memref<10112x128xf32, #tpu.memory_space<vmem_shared>>) offsets(%dma_start3A_76 : memref<125xi32, #tpu.memory_space<vmem>>) semaphore(%run_scoped3A_73 : memref<!tpu.dma_semaphore, #tpu.memory_space<semaphore_mem>>) {add = true}
          %dma_wait3A_80 = arith.constant 0 : i32
          %dma_wait3A_81 = tpu.memref_slice %arg5[%run_scoped3A_72, %add3A_71, %dma_wait3A_80] : memref<2x40x125xi32, #tpu.memory_space<vmem>> -> memref<1x1x125xi32, #tpu.memory_space<vmem>>
          %dma_wait3A_82 = tpu.memref_squeeze %dma_wait3A_81 : memref<1x1x125xi32, #tpu.memory_space<vmem>> -> memref<125xi32, #tpu.memory_space<vmem>>
          %dma_wait3A_83 = arith.constant 0 : i32
          %dma_wait3A_84 = arith.constant 0 : i32
          %dma_wait3A_85 = tpu.memref_slice %arg10[%dma_wait3A_83, %dma_wait3A_84] : memref<10112x128xf32, #tpu.memory_space<vmem_shared>> -> memref<10112x128xf32, #tpu.memory_space<vmem_shared>>
          tpu.wait_indirect_dma semaphore(%run_scoped3A_73 : memref<!tpu.dma_semaphore, #tpu.memory_space<semaphore_mem>>) src(%arg7 : memref<125x128xf32, #tpu.memory_space<vmem>>) dst(%dma_wait3A_85 : memref<10112x128xf32, #tpu.memory_space<vmem_shared>>)
          tpu.yield
        }) : () -> ()
      }
      %scan3A_38 = arith.constant 20 : i32
    }
    %scan3A_19 = arith.constant 2 : i32
    %barrier3A_20 = arith.constant 0 : index
    tpu.barrier barrier_id(%barrier3A_20)
    %mul3A_21 = arith.constant 632 : i32
    %mul3A_22 = arith.muli %arg1, %mul3A_21 : i32
    %mul3A_23 = arith.constant 632 : i32
    %mul3A_24 = arith.muli %arg1, %mul3A_23 : i32
    "tpu.region"() ({
      %run_scoped3A = tpu.sem_alloc : memref<!tpu.dma_semaphore, #tpu.memory_space<semaphore_mem>>
      %dma_start3A = arith.constant 0 : i32
      %dma_start3A_25 = tpu.memref_slice %arg4[%arg0, %mul3A_24, %dma_start3A] : memref<2x10112x128xf32, #tpu.memory_space<hbm>> -> memref<1x632x128xf32, #tpu.memory_space<hbm>>
      %dma_start3A_26 = tpu.memref_squeeze %dma_start3A_25 : memref<1x632x128xf32, #tpu.memory_space<hbm>> -> memref<632x128xf32, #tpu.memory_space<hbm>>
      %dma_start3A_27 = arith.constant 0 : i32
      %dma_start3A_28 = tpu.memref_slice %arg10[%mul3A_22, %dma_start3A_27] : memref<10112x128xf32, #tpu.memory_space<vmem_shared>> -> memref<632x128xf32, #tpu.memory_space<vmem_shared>>
      tpu.enqueue_dma source(%dma_start3A_28 : memref<632x128xf32, #tpu.memory_space<vmem_shared>>) target(%dma_start3A_26 : memref<632x128xf32, #tpu.memory_space<hbm>>) target_semaphore(%run_scoped3A : memref<!tpu.dma_semaphore, #tpu.memory_space<semaphore_mem>>)
      %dma_wait3A = arith.constant 0 : i32
      %dma_wait3A_29 = tpu.memref_slice %arg4[%arg0, %mul3A_24, %dma_wait3A] : memref<2x10112x128xf32, #tpu.memory_space<hbm>> -> memref<1x632x128xf32, #tpu.memory_space<hbm>>
      %dma_wait3A_30 = tpu.memref_squeeze %dma_wait3A_29 : memref<1x632x128xf32, #tpu.memory_space<hbm>> -> memref<632x128xf32, #tpu.memory_space<hbm>>
      %dma_wait3A_31 = arith.constant 0 : i32
      %dma_wait3A_32 = tpu.memref_slice %arg10[%mul3A_22, %dma_wait3A_31] : memref<10112x128xf32, #tpu.memory_space<vmem_shared>> -> memref<632x128xf32, #tpu.memory_space<vmem_shared>>
      tpu.wait_dma2 semaphore(%run_scoped3A : memref<!tpu.dma_semaphore, #tpu.memory_space<semaphore_mem>>) src(%dma_wait3A_32 : memref<632x128xf32, #tpu.memory_space<vmem_shared>>) dst(%dma_wait3A_30 : memref<632x128xf32, #tpu.memory_space<hbm>>)
      tpu.yield
    }) : () -> ()
    return
  }
}

module attributes {stable_mosaic.version = 14 : i64} {
  func.func @_mlp_table_kernel(%arg0: i32, %arg1: i32, %arg2: memref<10000x128xf32, #tpu.memory_space<vmem>>, %arg3: memref<1x128x128xf32, #tpu.memory_space<vmem>>, %arg4: memref<1x1x128xf32, #tpu.memory_space<vmem>>, %arg5: memref<1x128x128xf32, #tpu.memory_space<vmem>>, %arg6: memref<1x1x128xf32, #tpu.memory_space<vmem>>, %arg7: memref<2x160000xi32, #tpu.memory_space<vmem>>, %arg8: memref<1x160000xi32, #tpu.memory_space<vmem>>, %arg9: memref<10000x128xf32, #tpu.memory_space<vmem>>, %arg10: memref<2x160000xi32, #tpu.memory_space<vmem>>, %arg11: memref<2x160000xi32, #tpu.memory_space<vmem>>) attributes {dimension_semantics = [#tpu.dimension_semantics<arbitrary>, #tpu.dimension_semantics<arbitrary>], iteration_bounds = array<i64: 4, 1>, scalar_prefetch = 0 : i64, scratch_operands = 0 : i64, tpu.core_type = #tpu.core_type<tc>, window_params = [{transform_indices = @transform_0, window_bounds = array<i64: 10000, 128>}, {transform_indices = @transform_1, window_bounds = array<i64: 1, 128, 128>}, {transform_indices = @transform_2, window_bounds = array<i64: 1, 1, 128>}, {transform_indices = @transform_3, window_bounds = array<i64: 1, 128, 128>}, {transform_indices = @transform_4, window_bounds = array<i64: 1, 1, 128>}, {pipeline_mode = #tpu.pipeline_mode<synchronous>, transform_indices = @transform_5, window_bounds = array<i64: 2, 160000>}, {pipeline_mode = #tpu.pipeline_mode<synchronous>, transform_indices = @transform_6, window_bounds = array<i64: 1, 160000>}, {transform_indices = @transform_7, window_bounds = array<i64: 10000, 128>}, {pipeline_mode = #tpu.pipeline_mode<synchronous>, transform_indices = @transform_8, window_bounds = array<i64: 2, 160000>}, {pipeline_mode = #tpu.pipeline_mode<synchronous>, transform_indices = @transform_9, window_bounds = array<i64: 2, 160000>}]} {
    %get3A = arith.constant 0 : index
    %get3A_0 = arith.constant 0 : index
    %get3A_1 = vector.load %arg2[%get3A, %get3A_0] : memref<10000x128xf32, #tpu.memory_space<vmem>>, vector<10000x128xf32>
    %get3A_2 = arith.constant 0 : index
    %get3A_3 = arith.constant 0 : index
    %get3A_4 = arith.constant 0 : index
    %get3A_5 = vector.load %arg3[%get3A_2, %get3A_3, %get3A_4] : memref<1x128x128xf32, #tpu.memory_space<vmem>>, vector<1x128x128xf32>
    %get3A_6 = vector.shape_cast %get3A_5 : vector<1x128x128xf32> to vector<128x128xf32>
    %dot_general3A = arith.constant dense<0.000000e+00> : vector<10000x128xf32>
    %dot_general3A_7 = tpu.matmul %get3A_1, %get3A_6, %dot_general3A {dimension_numbers = #tpu.dot_dimension_numbers<[1], [1], [0], [0], [0, 0, 1, 0], [], []>, transpose_lhs_hint = false} : vector<10000x128xf32>, vector<128x128xf32>, vector<10000x128xf32> -> vector<10000x128xf32>
    %get3A_8 = arith.constant 0 : index
    %get3A_9 = arith.constant 0 : index
    %get3A_10 = arith.constant 0 : index
    %get3A_11 = vector.load %arg4[%get3A_8, %get3A_9, %get3A_10] : memref<1x1x128xf32, #tpu.memory_space<vmem>>, vector<1x1x128xf32>
    %get3A_12 = vector.shape_cast %get3A_11 : vector<1x1x128xf32> to vector<1x128xf32>
    %add3A = vector.broadcast %get3A_12 : vector<1x128xf32> to vector<10000x128xf32>
    %add3A_13 = arith.addf %dot_general3A_7, %add3A : vector<10000x128xf32>
    %max3A = arith.constant 0.000000e+00 : f32
    %max3A_14 = vector.broadcast %max3A : f32 to vector<10000x128xf32>
    %max3A_15 = arith.maximumf %add3A_13, %max3A_14 : vector<10000x128xf32>
    %get3A_16 = arith.constant 0 : index
    %get3A_17 = arith.constant 0 : index
    %get3A_18 = arith.constant 0 : index
    %get3A_19 = vector.load %arg5[%get3A_16, %get3A_17, %get3A_18] : memref<1x128x128xf32, #tpu.memory_space<vmem>>, vector<1x128x128xf32>
    %get3A_20 = vector.shape_cast %get3A_19 : vector<1x128x128xf32> to vector<128x128xf32>
    %dot_general3A_21 = arith.constant dense<0.000000e+00> : vector<10000x128xf32>
    %dot_general3A_22 = tpu.matmul %max3A_15, %get3A_20, %dot_general3A_21 {dimension_numbers = #tpu.dot_dimension_numbers<[1], [1], [0], [0], [0, 0, 1, 0], [], []>, transpose_lhs_hint = false} : vector<10000x128xf32>, vector<128x128xf32>, vector<10000x128xf32> -> vector<10000x128xf32>
    %get3A_23 = arith.constant 0 : index
    %get3A_24 = arith.constant 0 : index
    %get3A_25 = arith.constant 0 : index
    %get3A_26 = vector.load %arg6[%get3A_23, %get3A_24, %get3A_25] : memref<1x1x128xf32, #tpu.memory_space<vmem>>, vector<1x1x128xf32>
    %get3A_27 = vector.shape_cast %get3A_26 : vector<1x1x128xf32> to vector<1x128xf32>
    %add3A_28 = vector.broadcast %get3A_27 : vector<1x128xf32> to vector<10000x128xf32>
    %add3A_29 = arith.addf %dot_general3A_22, %add3A_28 : vector<10000x128xf32>
    %swap3A = arith.constant 0 : index
    %swap3A_30 = arith.constant 0 : index
    %swap3A_31 = vector.load %arg9[%swap3A, %swap3A_30] : memref<10000x128xf32, #tpu.memory_space<vmem>>, vector<10000x128xf32>
    tpu.vector_store %arg9[%swap3A, %swap3A_30], %add3A_29 {strides = array<i32>} : memref<10000x128xf32, #tpu.memory_space<vmem>>, vector<10000x128xf32>,
    %eq3A = arith.constant 0 : i32
    %eq3A_32 = arith.cmpi eq, %arg0, %eq3A : i32
    %eq3A_33 = arith.constant 0 : i32
    %eq3A_34 = arith.cmpi eq, %arg1, %eq3A_33 : i32
    %and3A = arith.andi %eq3A_32, %eq3A_34 : i1
    %convert_element_type3A = arith.extui %and3A : i1 to i32
    %cond3A = arith.constant 0 : i32
    %cond3A_35 = arith.cmpi ne, %convert_element_type3A, %cond3A : i32
    scf.if %cond3A_35 {
      %get3A_36 = arith.constant 0 : index
      %get3A_37 = arith.constant 0 : index
      %get3A_38 = vector.load %arg7[%get3A_36, %get3A_37] : memref<2x160000xi32, #tpu.memory_space<vmem>>, vector<1x160000xi32>
      %get3A_39 = vector.shape_cast %get3A_38 : vector<1x160000xi32> to vector<160000xi32>
      %get3A_40 = arith.constant 1 : index
      %get3A_41 = arith.constant 0 : index
      %get3A_42 = vector.load %arg7[%get3A_40, %get3A_41] : memref<2x160000xi32, #tpu.memory_space<vmem>>, vector<1x160000xi32>
      %get3A_43 = vector.shape_cast %get3A_42 : vector<1x160000xi32> to vector<160000xi32>
      %get3A_44 = arith.constant 0 : index
      %get3A_45 = arith.constant 0 : index
      %get3A_46 = vector.load %arg8[%get3A_44, %get3A_45] : memref<1x160000xi32, #tpu.memory_space<vmem>>, vector<1x160000xi32>
      %get3A_47 = vector.shape_cast %get3A_46 : vector<1x160000xi32> to vector<160000xi32>
      %mul3A = arith.constant 10000 : i32
      %mul3A_48 = vector.broadcast %mul3A : i32 to vector<160000xi32>
      %mul3A_49 = arith.muli %get3A_47, %mul3A_48 : vector<160000xi32>
      %add3A_50 = arith.addi %mul3A_49, %get3A_39 : vector<160000xi32>
      %swap3A_51 = arith.constant 0 : index
      %swap3A_52 = arith.constant 0 : index
      %swap3A_53 = vector.load %arg10[%swap3A_51, %swap3A_52] : memref<2x160000xi32, #tpu.memory_space<vmem>>, vector<1x160000xi32>
      %swap3A_54 = vector.shape_cast %swap3A_53 : vector<1x160000xi32> to vector<160000xi32>
      %swap3A_55 = vector.shape_cast %add3A_50 : vector<160000xi32> to vector<1x160000xi32>
      tpu.vector_store %arg10[%swap3A_51, %swap3A_52], %swap3A_55 {strides = array<i32>} : memref<2x160000xi32, #tpu.memory_space<vmem>>, vector<1x160000xi32>,
      %mul3A_56 = arith.constant 10000 : i32
      %mul3A_57 = vector.broadcast %mul3A_56 : i32 to vector<160000xi32>
      %mul3A_58 = arith.muli %get3A_47, %mul3A_57 : vector<160000xi32>
      %add3A_59 = arith.constant 20000 : i32
      %add3A_60 = vector.broadcast %add3A_59 : i32 to vector<160000xi32>
      %add3A_61 = arith.addi %add3A_60, %mul3A_58 : vector<160000xi32>
      %add3A_62 = arith.addi %add3A_61, %get3A_43 : vector<160000xi32>
      %swap3A_63 = arith.constant 1 : index
      %swap3A_64 = arith.constant 0 : index
      %swap3A_65 = vector.load %arg10[%swap3A_63, %swap3A_64] : memref<2x160000xi32, #tpu.memory_space<vmem>>, vector<1x160000xi32>
      %swap3A_66 = vector.shape_cast %swap3A_65 : vector<1x160000xi32> to vector<160000xi32>
      %swap3A_67 = vector.shape_cast %add3A_62 : vector<160000xi32> to vector<1x160000xi32>
      tpu.vector_store %arg10[%swap3A_63, %swap3A_64], %swap3A_67 {strides = array<i32>} : memref<2x160000xi32, #tpu.memory_space<vmem>>, vector<1x160000xi32>,
      %swap3A_68 = arith.constant 0 : index
      %swap3A_69 = arith.constant 0 : index
      %swap3A_70 = vector.load %arg11[%swap3A_68, %swap3A_69] : memref<2x160000xi32, #tpu.memory_space<vmem>>, vector<1x160000xi32>
      %swap3A_71 = vector.shape_cast %swap3A_70 : vector<1x160000xi32> to vector<160000xi32>
      %swap3A_72 = vector.shape_cast %get3A_43 : vector<160000xi32> to vector<1x160000xi32>
      tpu.vector_store %arg11[%swap3A_68, %swap3A_69], %swap3A_72 {strides = array<i32>} : memref<2x160000xi32, #tpu.memory_space<vmem>>, vector<1x160000xi32>,
      %swap3A_73 = arith.constant 1 : index
      %swap3A_74 = arith.constant 0 : index
      %swap3A_75 = vector.load %arg11[%swap3A_73, %swap3A_74] : memref<2x160000xi32, #tpu.memory_space<vmem>>, vector<1x160000xi32>
      %swap3A_76 = vector.shape_cast %swap3A_75 : vector<1x160000xi32> to vector<160000xi32>
      %swap3A_77 = vector.shape_cast %get3A_39 : vector<160000xi32> to vector<1x160000xi32>
      tpu.vector_store %arg11[%swap3A_73, %swap3A_74], %swap3A_77 {strides = array<i32>} : memref<2x160000xi32, #tpu.memory_space<vmem>>, vector<1x160000xi32>,
    } else {
    }
    return
  }
  func.func @transform_0(%arg0: i32, %arg1: i32) -> (i32, i32) {
    %c0_i32 = arith.constant 0 : i32
    %c0_i32_0 = arith.constant 0 : i32
    return %arg1, %c0_i32 : i32, i32
  }
  func.func @transform_1(%arg0: i32, %arg1: i32) -> (i32, i32, i32) {
    %c0_i32 = arith.constant 0 : i32
    %c0_i32_0 = arith.constant 0 : i32
    %c0_i32_1 = arith.constant 0 : i32
    return %arg0, %c0_i32, %c0_i32_0 : i32, i32, i32
  }
  func.func @transform_2(%arg0: i32, %arg1: i32) -> (i32, i32, i32) {
    %c0_i32 = arith.constant 0 : i32
    %c0_i32_0 = arith.constant 0 : i32
    %c0_i32_1 = arith.constant 0 : i32
    return %arg0, %c0_i32, %c0_i32_0 : i32, i32, i32
  }
  func.func @transform_3(%arg0: i32, %arg1: i32) -> (i32, i32, i32) {
    %c0_i32 = arith.constant 0 : i32
    %c0_i32_0 = arith.constant 0 : i32
    %c0_i32_1 = arith.constant 0 : i32
    return %arg0, %c0_i32, %c0_i32_0 : i32, i32, i32
  }
  func.func @transform_4(%arg0: i32, %arg1: i32) -> (i32, i32, i32) {
    %c0_i32 = arith.constant 0 : i32
    %c0_i32_0 = arith.constant 0 : i32
    %c0_i32_1 = arith.constant 0 : i32
    return %arg0, %c0_i32, %c0_i32_0 : i32, i32, i32
  }
  func.func @transform_5(%arg0: i32, %arg1: i32) -> (i32, i32) {
    %c0_i32 = arith.constant 0 : i32
    %c0_i32_0 = arith.constant 0 : i32
    %c0_i32_1 = arith.constant 0 : i32
    return %c0_i32, %c0_i32_0 : i32, i32
  }
  func.func @transform_6(%arg0: i32, %arg1: i32) -> (i32, i32) {
    %c0_i32 = arith.constant 0 : i32
    %c0_i32_0 = arith.constant 0 : i32
    %c0_i32_1 = arith.constant 0 : i32
    return %c0_i32, %c0_i32_0 : i32, i32
  }
  func.func @transform_7(%arg0: i32, %arg1: i32) -> (i32, i32) {
    %mul3A = arith.constant 1 : i32
    %mul3A_0 = arith.muli %arg0, %mul3A : i32
    %add3A = arith.addi %mul3A_0, %arg1 : i32
    %c0_i32 = arith.constant 0 : i32
    %c0_i32_1 = arith.constant 0 : i32
    return %add3A, %c0_i32 : i32, i32
  }
  func.func @transform_8(%arg0: i32, %arg1: i32) -> (i32, i32) {
    %c0_i32 = arith.constant 0 : i32
    %c0_i32_0 = arith.constant 0 : i32
    %c0_i32_1 = arith.constant 0 : i32
    return %c0_i32, %c0_i32_0 : i32, i32
  }
  func.func @transform_9(%arg0: i32, %arg1: i32) -> (i32, i32) {
    %c0_i32 = arith.constant 0 : i32
    %c0_i32_0 = arith.constant 0 : i32
    %c0_i32_1 = arith.constant 0 : i32
    return %c0_i32, %c0_i32_0 : i32, i32
  }
}

module attributes {stable_mosaic.version = 14 : i64} {
  func.func @_finish_kernel(%arg0: i32, %arg1: memref<10000x128xf32, #tpu.memory_space<vmem>>, %arg2: memref<1x10000x128xf32, #tpu.memory_space<vmem>>, %arg3: memref<1x10000x128xf32, #tpu.memory_space<vmem>>, %arg4: memref<128x128xf32, #tpu.memory_space<vmem>>, %arg5: memref<1x128xf32, #tpu.memory_space<vmem>>, %arg6: memref<128x128xf32, #tpu.memory_space<vmem>>, %arg7: memref<1x128xf32, #tpu.memory_space<vmem>>, %arg8: memref<128x1xf32, #tpu.memory_space<vmem>>, %arg9: memref<1x1xf32, #tpu.memory_space<vmem>>, %arg10: memref<128x1xf32, #tpu.memory_space<vmem>>, %arg11: memref<1x1xf32, #tpu.memory_space<vmem>>, %arg12: memref<10000x1xf32, #tpu.memory_space<vmem>>) attributes {dimension_semantics = [#tpu.dimension_semantics<arbitrary>], iteration_bounds = array<i64: 1>, scalar_prefetch = 0 : i64, scratch_operands = 0 : i64, tpu.core_type = #tpu.core_type<tc>, window_params = [{transform_indices = @transform_0, window_bounds = array<i64: 10000, 128>}, {transform_indices = @transform_1, window_bounds = array<i64: 1, 10000, 128>}, {transform_indices = @transform_2, window_bounds = array<i64: 1, 10000, 128>}, {pipeline_mode = #tpu.pipeline_mode<synchronous>, transform_indices = @transform_3, window_bounds = array<i64: 128, 128>}, {pipeline_mode = #tpu.pipeline_mode<synchronous>, transform_indices = @transform_4, window_bounds = array<i64: 1, 128>}, {pipeline_mode = #tpu.pipeline_mode<synchronous>, transform_indices = @transform_5, window_bounds = array<i64: 128, 128>}, {pipeline_mode = #tpu.pipeline_mode<synchronous>, transform_indices = @transform_6, window_bounds = array<i64: 1, 128>}, {pipeline_mode = #tpu.pipeline_mode<synchronous>, transform_indices = @transform_7, window_bounds = array<i64: 128, 1>}, {pipeline_mode = #tpu.pipeline_mode<synchronous>, transform_indices = @transform_8, window_bounds = array<i64: 1, 1>}, {pipeline_mode = #tpu.pipeline_mode<synchronous>, transform_indices = @transform_9, window_bounds = array<i64: 128, 1>}, {pipeline_mode = #tpu.pipeline_mode<synchronous>, transform_indices = @transform_10, window_bounds = array<i64: 1, 1>}, {transform_indices = @transform_11, window_bounds = array<i64: 10000, 1>}]} {
    %get3A = arith.constant 0 : index
    %get3A_0 = arith.constant 0 : index
    %get3A_1 = vector.load %arg1[%get3A, %get3A_0] : memref<10000x128xf32, #tpu.memory_space<vmem>>, vector<10000x128xf32>
    %get3A_2 = arith.constant 0 : index
    %get3A_3 = arith.constant 0 : index
    %get3A_4 = vector.load %arg4[%get3A_2, %get3A_3] : memref<128x128xf32, #tpu.memory_space<vmem>>, vector<128x128xf32>
    %dot_general3A = arith.constant dense<0.000000e+00> : vector<10000x128xf32>
    %dot_general3A_5 = tpu.matmul %get3A_1, %get3A_4, %dot_general3A {dimension_numbers = #tpu.dot_dimension_numbers<[1], [1], [0], [0], [0, 0, 1, 0], [], []>, transpose_lhs_hint = false} : vector<10000x128xf32>, vector<128x128xf32>, vector<10000x128xf32> -> vector<10000x128xf32>
    %get3A_6 = arith.constant 0 : index
    %get3A_7 = arith.constant 0 : index
    %get3A_8 = vector.load %arg5[%get3A_6, %get3A_7] : memref<1x128xf32, #tpu.memory_space<vmem>>, vector<1x128xf32>
    %add3A = vector.broadcast %get3A_8 : vector<1x128xf32> to vector<10000x128xf32>
    %add3A_9 = arith.addf %dot_general3A_5, %add3A : vector<10000x128xf32>
    %get3A_10 = arith.constant 0 : index
    %get3A_11 = arith.constant 0 : index
    %get3A_12 = arith.constant 0 : index
    %get3A_13 = vector.load %arg2[%get3A_10, %get3A_11, %get3A_12] : memref<1x10000x128xf32, #tpu.memory_space<vmem>>, vector<1x10000x128xf32>
    %get3A_14 = vector.shape_cast %get3A_13 : vector<1x10000x128xf32> to vector<10000x128xf32>
    %add3A_15 = arith.addf %add3A_9, %get3A_14 : vector<10000x128xf32>
    %tanh3A = math.tanh %add3A_15 : vector<10000x128xf32>
    %get3A_16 = arith.constant 0 : index
    %get3A_17 = arith.constant 0 : index
    %get3A_18 = vector.load %arg6[%get3A_16, %get3A_17] : memref<128x128xf32, #tpu.memory_space<vmem>>, vector<128x128xf32>
    %dot_general3A_19 = arith.constant dense<0.000000e+00> : vector<10000x128xf32>
    %dot_general3A_20 = tpu.matmul %get3A_1, %get3A_18, %dot_general3A_19 {dimension_numbers = #tpu.dot_dimension_numbers<[1], [1], [0], [0], [0, 0, 1, 0], [], []>, transpose_lhs_hint = false} : vector<10000x128xf32>, vector<128x128xf32>, vector<10000x128xf32> -> vector<10000x128xf32>
    %get3A_21 = arith.constant 0 : index
    %get3A_22 = arith.constant 0 : index
    %get3A_23 = vector.load %arg7[%get3A_21, %get3A_22] : memref<1x128xf32, #tpu.memory_space<vmem>>, vector<1x128xf32>
    %add3A_24 = vector.broadcast %get3A_23 : vector<1x128xf32> to vector<10000x128xf32>
    %add3A_25 = arith.addf %dot_general3A_20, %add3A_24 : vector<10000x128xf32>
    %get3A_26 = arith.constant 0 : index
    %get3A_27 = arith.constant 0 : index
    %get3A_28 = arith.constant 0 : index
    %get3A_29 = vector.load %arg3[%get3A_26, %get3A_27, %get3A_28] : memref<1x10000x128xf32, #tpu.memory_space<vmem>>, vector<1x10000x128xf32>
    %get3A_30 = vector.shape_cast %get3A_29 : vector<1x10000x128xf32> to vector<10000x128xf32>
    %add3A_31 = arith.addf %add3A_25, %get3A_30 : vector<10000x128xf32>
    %tanh3A_32 = math.tanh %add3A_31 : vector<10000x128xf32>
    %get3A_33 = arith.constant 0 : index
    %get3A_34 = arith.constant 0 : index
    %get3A_35 = vector.load %arg8[%get3A_33, %get3A_34] : memref<128x1xf32, #tpu.memory_space<vmem>>, vector<128x1xf32>
    %dot_general3A_36 = arith.constant dense<0.000000e+00> : vector<10000x1xf32>
    %dot_general3A_37 = tpu.matmul %tanh3A, %get3A_35, %dot_general3A_36 {dimension_numbers = #tpu.dot_dimension_numbers<[1], [0], [0], [1], [0, 0, 1, 1], [], []>, transpose_lhs_hint = false} : vector<10000x128xf32>, vector<128x1xf32>, vector<10000x1xf32> -> vector<10000x1xf32>
    %get3A_38 = arith.constant 0 : index
    %get3A_39 = arith.constant 0 : index
    %get3A_40 = vector.load %arg9[%get3A_38, %get3A_39] : memref<1x1xf32, #tpu.memory_space<vmem>>, vector<1x1xf32>
    %get3A_41 = vector.extract %get3A_40[0, 0] : f32 from vector<1x1xf32>
    %add3A_42 = vector.broadcast %get3A_41 : f32 to vector<10000x1xf32>
    %add3A_43 = arith.addf %dot_general3A_37, %add3A_42 : vector<10000x1xf32>
    %logistic3A = arith.negf %add3A_43 : vector<10000x1xf32>
    %logistic3A_44 = math.exp %logistic3A : vector<10000x1xf32>
    %logistic3A_45 = arith.constant 1.000000e+00 : f32
    %logistic3A_46 = vector.broadcast %logistic3A_45 : f32 to vector<10000x1xf32>
    %logistic3A_47 = arith.addf %logistic3A_46, %logistic3A_44 : vector<10000x1xf32>
    %logistic3A_48 = arith.divf %logistic3A_46, %logistic3A_47 : vector<10000x1xf32>
    %mul3A = vector.broadcast %logistic3A_48 : vector<10000x1xf32> to vector<10000x128xf32>
    %mul3A_49 = arith.mulf %mul3A, %tanh3A : vector<10000x128xf32>
    %sub3A = arith.constant 1.000000e+00 : f32
    %sub3A_50 = vector.broadcast %sub3A : f32 to vector<10000x1xf32>
    %sub3A_51 = arith.subf %sub3A_50, %logistic3A_48 : vector<10000x1xf32>
    %mul3A_52 = vector.broadcast %sub3A_51 : vector<10000x1xf32> to vector<10000x128xf32>
    %mul3A_53 = arith.mulf %mul3A_52, %tanh3A_32 : vector<10000x128xf32>
    %add3A_54 = arith.addf %mul3A_49, %mul3A_53 : vector<10000x128xf32>
    %get3A_55 = arith.constant 0 : index
    %get3A_56 = arith.constant 0 : index
    %get3A_57 = vector.load %arg10[%get3A_55, %get3A_56] : memref<128x1xf32, #tpu.memory_space<vmem>>, vector<128x1xf32>
    %dot_general3A_58 = arith.constant dense<0.000000e+00> : vector<10000x1xf32>
    %dot_general3A_59 = tpu.matmul %add3A_54, %get3A_57, %dot_general3A_58 {dimension_numbers = #tpu.dot_dimension_numbers<[1], [0], [0], [1], [0, 0, 1, 1], [], []>, transpose_lhs_hint = false} : vector<10000x128xf32>, vector<128x1xf32>, vector<10000x1xf32> -> vector<10000x1xf32>
    %get3A_60 = arith.constant 0 : index
    %get3A_61 = arith.constant 0 : index
    %get3A_62 = vector.load %arg11[%get3A_60, %get3A_61] : memref<1x1xf32, #tpu.memory_space<vmem>>, vector<1x1xf32>
    %get3A_63 = vector.extract %get3A_62[0, 0] : f32 from vector<1x1xf32>
    %add3A_64 = vector.broadcast %get3A_63 : f32 to vector<10000x1xf32>
    %add3A_65 = arith.addf %dot_general3A_59, %add3A_64 : vector<10000x1xf32>
    %logistic3A_66 = arith.negf %add3A_65 : vector<10000x1xf32>
    %logistic3A_67 = math.exp %logistic3A_66 : vector<10000x1xf32>
    %logistic3A_68 = arith.constant 1.000000e+00 : f32
    %logistic3A_69 = vector.broadcast %logistic3A_68 : f32 to vector<10000x1xf32>
    %logistic3A_70 = arith.addf %logistic3A_69, %logistic3A_67 : vector<10000x1xf32>
    %logistic3A_71 = arith.divf %logistic3A_69, %logistic3A_70 : vector<10000x1xf32>
    %swap3A = arith.constant 0 : index
    %swap3A_72 = arith.constant 0 : index
    %swap3A_73 = vector.load %arg12[%swap3A, %swap3A_72] : memref<10000x1xf32, #tpu.memory_space<vmem>>, vector<10000x1xf32>
    tpu.vector_store %arg12[%swap3A, %swap3A_72], %logistic3A_71 {strides = array<i32>} : memref<10000x1xf32, #tpu.memory_space<vmem>>, vector<10000x1xf32>,
    return
  }
  func.func @transform_0(%arg0: i32) -> (i32, i32) {
    %c0_i32 = arith.constant 0 : i32
    %c0_i32_0 = arith.constant 0 : i32
    return %arg0, %c0_i32 : i32, i32
  }
  func.func @transform_1(%arg0: i32) -> (i32, i32, i32) {
    %c0_i32 = arith.constant 0 : i32
    %c0_i32_0 = arith.constant 0 : i32
    %c0_i32_1 = arith.constant 0 : i32
    return %c0_i32, %arg0, %c0_i32_0 : i32, i32, i32
  }
  func.func @transform_2(%arg0: i32) -> (i32, i32, i32) {
    %c1_i32 = arith.constant 1 : i32
    %c0_i32 = arith.constant 0 : i32
    %c0_i32_0 = arith.constant 0 : i32
    return %c1_i32, %arg0, %c0_i32 : i32, i32, i32
  }
  func.func @transform_3(%arg0: i32) -> (i32, i32) {
    %c0_i32 = arith.constant 0 : i32
    %c0_i32_0 = arith.constant 0 : i32
    %c0_i32_1 = arith.constant 0 : i32
    return %c0_i32, %c0_i32_0 : i32, i32
  }
  func.func @transform_4(%arg0: i32) -> (i32, i32) {
    %c0_i32 = arith.constant 0 : i32
    %c0_i32_0 = arith.constant 0 : i32
    %c0_i32_1 = arith.constant 0 : i32
    return %c0_i32, %c0_i32_0 : i32, i32
  }
  func.func @transform_5(%arg0: i32) -> (i32, i32) {
    %c0_i32 = arith.constant 0 : i32
    %c0_i32_0 = arith.constant 0 : i32
    %c0_i32_1 = arith.constant 0 : i32
    return %c0_i32, %c0_i32_0 : i32, i32
  }
  func.func @transform_6(%arg0: i32) -> (i32, i32) {
    %c0_i32 = arith.constant 0 : i32
    %c0_i32_0 = arith.constant 0 : i32
    %c0_i32_1 = arith.constant 0 : i32
    return %c0_i32, %c0_i32_0 : i32, i32
  }
  func.func @transform_7(%arg0: i32) -> (i32, i32) {
    %c0_i32 = arith.constant 0 : i32
    %c0_i32_0 = arith.constant 0 : i32
    %c0_i32_1 = arith.constant 0 : i32
    return %c0_i32, %c0_i32_0 : i32, i32
  }
  func.func @transform_8(%arg0: i32) -> (i32, i32) {
    %c0_i32 = arith.constant 0 : i32
    %c0_i32_0 = arith.constant 0 : i32
    %c0_i32_1 = arith.constant 0 : i32
    return %c0_i32, %c0_i32_0 : i32, i32
  }
  func.func @transform_9(%arg0: i32) -> (i32, i32) {
    %c0_i32 = arith.constant 0 : i32
    %c0_i32_0 = arith.constant 0 : i32
    %c0_i32_1 = arith.constant 0 : i32
    return %c0_i32, %c0_i32_0 : i32, i32
  }
  func.func @transform_10(%arg0: i32) -> (i32, i32) {
    %c0_i32 = arith.constant 0 : i32
    %c0_i32_0 = arith.constant 0 : i32
    %c0_i32_1 = arith.constant 0 : i32
    return %c0_i32, %c0_i32_0 : i32, i32
  }
  func.func @transform_11(%arg0: i32) -> (i32, i32) {
    %c0_i32 = arith.constant 0 : i32
    %c0_i32_0 = arith.constant 0 : i32
    return %arg0, %c0_i32 : i32, i32
  }
}

</mosaic_0001>

<sc_bundles>
// kernel: kernel.5.cloned.1.call-start
scs
__scs_entry_jumppad:
0x0: {  	(pc) =	sbr.rel $0x88, $3  }
0x1: {  	(tag) =	ssettag $0x0;
	lr =	simm.s32 $0x1  }
0x2: {  	[smem:$0x3F8E] =	sst lr;
	_ =	strace $0xD0000000  }
0x3: {  	_ = 	snop  }
0x4: {  	_ = 	snop  }
0x5: {  	_ = 	snop  }
0x6: {  	_ = 	snop  }
0x7: {  	_ = 	snop  }
__scs_overlays_trampoline_lowered:
0x8: {  	[smem:$0x3F9D] =	sst s0  }
0x9: {  	[smem:$0x3F9E] =	sst s1  }
0xa: {  	[smem:$0x3F9F] =	sst s2  }
0xb: {  	[smem:$0x3FA0] =	sst s3  }
0xc: {  	[smem:$0x3FA1] =	sst s4  }
0xd: {  	[smem:$0x3FA2] =	sst s5  }
0xe: {  	[smem:$0x3FA3] =	sst s6  }
0xf: {  	[smem:$0x3FA4] =	sst s7  }
0x10: {  	[smem:$0x3FA5] =	sst s8  }
0x11: {  	[smem:$0x3FA6] =	sst s9;
	s0 =	simm.s32 @!p0 $0x0  }
0x12: {  	s1 =	sld [smem:$0x3F8C];
	s0 =	simm.s32 @p0 $0x1  }
0x13: {  	[smem:$0x3FA7] =	sst s0;
	s0 =	simm.s32 @!p1 $0x0  }
0x14: {  	s2 =	sld [smem:$0x3F8B];
	s0 =	simm.s32 @p1 $0x1  }
0x15: {  	[smem:$0x3FA8] =	sst s0;
	s0 =	simm.s32 @!p2 $0x0  }
0x16: {  	s3 =	sld [smem:$0x3FDB];
	s0 =	simm.s32 @p2 $0x1  }
0x17: {  	s4 =	simm.s32 $0x1BF5;
	[smem:$0x3FAA] =	sst s0  }
0x18: {  	s0 =	sld [smem:$0x3F8D];
	_ =	swait.ge [sflag:s4], $0x0  }
0x19: {  	s7 =	sld [smem:$0x3F8E]  }
0x1a: {  	s8 =	sadd.s32 $0xFFFFE003, lr  }
0x1b: {  	s9 =	sadd.s32 $0xFFFFFEF7, lr;
	s5 =	simm.s32 $0xFFFFFFFF;
	p2 =	slt.u32 s8, $0xFFFFF086  }
0x1c: {  	p1 =	slt.u32 s9, $0xF7A;
	s5 =	simm.s32 @!p2 $0x0  }
0x1d: {  	s5 =	simm.s32 @p1 $0x1;
	p0 =	seq.s32 s7, s2  }
0x1e: {  	s7 =	smul.u32 @!p0 $0xF7A, s2;
	p2 =	seq.s32 @!p0 s5, $0x0  }
0x1f: {  	s9 =	smul.u32 $0xF7A, s1;
	s8 =	simm.s32 @!p0 $0x1BF5;
	p2 =	por !p2, p0  }
0x20: {  	[sflag:s8] =	ssyncset.s32 @!p0 $0xFFFFF086;
	s6 =	sadd.s32 @!p0 s3, s7;
	s7 =	simm.s32 @!p0 $0x108  }
0x21: {  	s3 =	sadd.s32 s3, s9;
	s6 =	sadd.s32 @!p0 $0x88, s6;
	s7 =	simm.s32 @p2 $0x1082  }
0x22: {  	[simem:s7], [sflag:s8] =	dma.local @!p0 [hbm:s6], $0xF7A  }
0x23: {  	s9 =	sor.u32 $0xD0000000, s2;
	s6 =	simm.s32 $0x108;
	_ =	swait.ge @!p0 [sflag:s8], $0x0  }
0x24: {  	s3 =	sadd.s32 $0x88, s3;
	s6 =	simm.s32 @!p1 $0x1082;
	[sflag:s4] =	ssyncset.s32 $0xFFFFF086  }
0x25: {  	[simem:s6], [sflag:s4] =	dma.local [hbm:s3], $0xF7A  }
0x26: {  	[smem:$0x3F8E] =	sst s1;
	(tag) =	ssettag s2;
	_ =	strace s9  }
0x27: {  	s1 =	sld [smem:$0x3F9E]  }
0x28: {  	s2 =	sld [smem:$0x3F9F]  }
0x29: {  	s4 =	sld [smem:$0x3FA1]  }
0x2a: {  	p0 =	seq.s32 s5, $0x0;
	s5 =	sld [smem:$0x3FA2]  }
0x2b: {  	s6 =	sld [smem:$0x3FA3]  }
0x2c: {  	s7 =	sld [smem:$0x3FA4]  }
0x2d: {  	s3 =	simm.s32 $0x108;
	s8 =	sld [smem:$0x3FA5]  }
0x2e: {  	s3 =	simm.s32 @!p0 $0x1082;
	s9 =	sld [smem:$0x3FA6]  }
0x2f: {  	lr =	sadd.s32 s0, s3;
	s0 =	sld [smem:$0x3F9D]  }
0x30: {  	s3 =	sld [smem:$0x3FA0]  }
0x31: {  	[smem:$0x3FA9] =	sst s10  }
0x32: {  	s10 =	sld [smem:$0x3FA7];
	_ =	sdelay $0x3  }
0x33: {  	p0 =	seq.s32 s10, $0x1;
	s10 =	sld [smem:$0x3FA9];
	_ =	sdelay $0x3  }
0x34: {  	[smem:$0x3FA9] =	sst s10  }
0x35: {  	s10 =	sld [smem:$0x3FA8];
	_ =	sdelay $0x3  }
0x36: {  	p1 =	seq.s32 s10, $0x1;
	s10 =	sld [smem:$0x3FA9];
	_ =	sdelay $0x3  }
0x37: {  	[smem:$0x3FA9] =	sst s10  }
0x38: {  	s10 =	sld [smem:$0x3FAA]  }
0x39: {  	_ = 	snop;
	(pc) =	sbr.ind lr, $3  }
0x3a: {  	_ = 	snop  }
0x3b: {  	_ = 	snop  }
0x3c: {  	p2 =	seq.s32 s10, $0x1;
	s10 =	sld [smem:$0x3FA9]  }
0x3d: {  	_ =	shalt  }
0x3e: {  	_ =	shalt  }
0x3f: {  	_ =	shalt  }
0x40: {  	_ =	shalt  }
0x41: {  	_ =	shalt  }
0x42: {  	_ =	shalt  }
0x43: {  	_ =	shalt  }
0x44: {  	_ =	shalt  }
0x45: {  	_ =	shalt  }
0x46: {  	_ =	shalt  }
0x47: {  	_ =	shalt  }
0x48: {  	_ =	shalt  }
0x49: {  	_ =	shalt  }
0x4a: {  	_ =	shalt  }
0x4b: {  	_ =	shalt  }
0x4c: {  	_ =	shalt  }
0x4d: {  	_ =	shalt  }
0x4e: {  	_ =	shalt  }
0x4f: {  	_ =	shalt  }
0x50: {  	_ =	shalt  }
0x51: {  	_ =	shalt  }
0x52: {  	_ =	shalt  }
0x53: {  	_ =	shalt  }
0x54: {  	_ =	shalt  }
0x55: {  	_ =	shalt  }
0x56: {  	_ =	shalt  }
0x57: {  	_ =	shalt  }
0x58: {  	_ =	shalt  }
0x59: {  	_ =	shalt  }
0x5a: {  	_ =	shalt  }
0x5b: {  	_ =	shalt  }
0x5c: {  	_ =	shalt  }
0x5d: {  	_ =	shalt  }
0x5e: {  	_ =	shalt  }
0x5f: {  	_ =	shalt  }
0x60: {  	_ =	shalt  }
0x61: {  	_ =	shalt  }
0x62: {  	_ =	shalt  }
0x63: {  	_ =	shalt  }
0x64: {  	_ =	shalt  }
0x65: {  	_ =	shalt  }
0x66: {  	_ =	shalt  }
0x67: {  	_ =	shalt  }
0x68: {  	_ =	shalt  }
0x69: {  	_ =	shalt  }
0x6a: {  	_ =	shalt  }
0x6b: {  	_ =	shalt  }
0x6c: {  	_ =	shalt  }
0x6d: {  	_ =	shalt  }
0x6e: {  	_ =	shalt  }
0x6f: {  	_ =	shalt  }
0x70: {  	_ =	shalt  }
0x71: {  	_ =	shalt  }
0x72: {  	_ =	shalt  }
0x73: {  	_ =	shalt  }
0x74: {  	_ =	shalt  }
0x75: {  	_ =	shalt  }
0x76: {  	_ =	shalt  }
0x77: {  	_ =	shalt  }
0x78: {  	_ =	shalt  }
0x79: {  	_ =	shalt  }
0x7a: {  	_ =	shalt  }
0x7b: {  	_ =	shalt  }
0x7c: {  	_ =	shalt  }
0x7d: {  	_ =	shalt  }
0x7e: {  	_ =	shalt  }
0x7f: {  	_ =	shalt  }
0x80: {  	_ =	shalt  }
0x81: {  	_ =	shalt  }
0x82: {  	_ =	shalt  }
0x83: {  	_ =	shalt  }
0x84: {  	_ =	shalt  }
0x85: {  	_ =	shalt  }
0x86: {  	_ =	shalt  }
0x87: {  	_ =	shalt  }
.Lfunc_end0:
.L_simem_size_0:
called_computation_lowered:
.L_overlay_start_0:
0x88: {  	s2 =	sld [smem:$0x3FD9]  }
0x89: {  	s3 =	sld [smem:$0x3FFE];
	_ =	sdelay $0x1  }
0x8a: {  	s1 =	srdreg.scid  }
0x8b: {  	s0 =	sand.u32 $0x1, s1  }
0x8c: {  	s16 =	sshll.u32 s0, $0xA;
	s2 =	sadd.s32 s3, s2  }
0x8d: {  	s2 =	sadd.s32 s2, s16  }
0x8e: {  	[smem:$0x3FB5] =	sst s2  }
0x8f: {  	_ = 	snop  }
0x90: {  	(tm) =	ssettm $0x1  }
0x91: {  	s17 =	sld [smem:$0x3FFB];
	_ =	sdelay $0x3  }
0x92: {  	_ =	strace s17  }
0x93: {  	s2 =	sld [smem:$0x3FFC];
	_ =	sdelay $0x3  }
0x94: {  	_ =	strace s2  }
0x95: {  	s2 =	sld [smem:$0x3FFD];
	_ =	sdelay $0x3  }
0x96: {  	_ =	strace s2  }
0x97: {  	_ =	strace $0x8FFFFFFF  }
0x98: {  	s18 =	sld [smem:$0x3FDB];
	_ =	sdelay $0x1  }
0x99: {  	s19 =	simm.s32 $_scs_section_size  }
0x9a: {  	s4 =	simm.s32 $_size__tile_overlayer_lowered;
	s5 =	simm.s32 $_tile_overlayer_lowered  }
0x9b: {  	s22 =	simm.s32 $0x1BFF;
	s21 =	sshll.u32 s5, $0x1;
	s2 =	sadd.s32 s19, s18  }
0x9c: {  	s6 =	simm.s32 $0x0;
	s20 =	sshll.u32 s4, $0x1;
	s4 =	sadd.s32 s21, s2  }
0x9d: {  	[timem:s6], [sflag:s22] =	dma.local [hbm:s4], s20  }
0x9e: {  	_ =	swait.ge [sflag:s22], s20  }
0x9f: {  	s3 =	ssub.s32 $0x0, s20;
	[sflag:s22] =	ssyncset.done $0x0  }
0xa0: {  	[sflag:s22] =	ssyncadd.s32 s3;
	_ =	sdelay $0x1  }
0xa1: {  	s23 =	simm.s32 $0x1B8B  }
0xa2: {  	_ =	swait.ge [sflag:s23], $0x1  }
0xa3: {  	[sflag:s23] =	ssyncset.done $0x0  }
0xa4: {  	s25 =	simm.s32 $0x1B8E;
	s24 =	sld [smem:$0x3FFE];
	[sflag:s23] =	ssyncadd.s32 $0xFFFFFFFF  }
0xa5: {  	s26 =	simm.s32 $execute0_lowered;
	[smem:$0x3FD2] =	sst s25  }
0xa6: {  	s4 =	sshll.u32 s26, $0x1;
	_ =	strace $0x80000046;
	[dreg:$0x1] =	wrdreg $0xFFFFFFFF  }
0xa7: {  	s28 =	simm.s32 $_size_execute0_lowered;
	s2 =	sadd.s32 s2, s4;
	[dreg:$0x0] =	wrdreg $0x0  }
0xa8: {  	s4 =	sshll.u32 s28, $0x1;
	[dreg:$0x2] =	wrdreg s2  }
0xa9: {  	[dreg:$0x3] =	wrdreg s4  }
0xaa: {  	[dreg:$0x4] =	wrdreg $0xC0  }
0xab: {  	_ =	task [dreg:s6], $0x5FFFF  }
0xac: {  	[dreg:$0x1] =	wrdreg $0xFFFFFFFF  }
0xad: {  	[dreg:$0x0] =	wrdreg $0x60  }
0xae: {  	[dreg:$0x2] =	wrdreg s24  }
0xaf: {  	[dreg:$0x3] =	wrdreg $0xA8000  }
0xb0: {  	[dreg:$0x4] =	wrdreg $0x9  }
0xb1: {  	_ =	task.clear_ibuf [dreg:s6], $0x5FFFF;
	_ =	strace $0x90000046  }
0xb2: {  	s29 =	simm.s32 $0x9;
	_ =	strace $0x80000048  }
0xb3: {  	_ =	swait.ge [sflag:s29], $0x1  }
0xb4: {  	[sflag:s29] =	ssyncadd.s32 $0xFFFFFFFF  }
0xb5: {  	_ =	strace $0x90000048  }
0xb6: {  	_ =	sfence  }
0xb7: {  	s30 =	sld [smem:$0x0];
	_ =	sdelay $0x2  }
0xb8: {  	s31 =	sshll.u32 s1, $0xD;
	s1 =	sshrl.u32 s1, $0x2  }
0xb9: {  	s3 =	sand.u32 $0x4000, s31;
	s1 =	sadd.s32 s1, s30  }
0xba: {  	s0 =	sor.u32 s3, s0;
	s1 =	sshll.u32 s1, $0x11  }
0xbb: {  	s0 =	sor.u32 s1, s0  }
0xbc: {  	s0 =	sadd.s32 $0x8F2B, s0  }
0xbd: {  	[sflag:s0] =	ssyncadd.remote.s32 $0x1  }
0xbe: {  	_ =	sfence.sel $0xFFFF  }
0xbf: {  	[dreg:$0x0] =	wrdreg $0xFFFFFFFF;
	(pc) =	sbr.abs _section_cstart, $3  }
0xc0: {  	[dreg:$0x1] =	wrdreg $0xFFFFFFFF  }
0xc1: {  	_ =	task.clear_ibuf [dreg:s6], $0x2FFFF;
	_ =	strace $0x9FFFFFFF  }
0xc2: {  	(tm) =	ssettm $0x7FFFFFFF  }
0xc3: {  	_ =	shalt  }
tec
execute0_lowered:
.L_overlay_start_1:
0x0: {  	(tag) =	ssettag $0x1  }
0x1: {  	s6 =	rddreg [dreg:$0x0]  }
0x2: {  	s0 =	srdreg.scid;
	s2 =	rddreg [dreg:$0x1]  }
0x3: {  	s1 =	rddreg [dreg:$0x2];
	s3 =	simm.s32 $0x0;
	s15 =	simm.s32 $0x2800  }
0x4: {  	s16 =	simm.s32 $0x3;
	s17 =	simm.s32 $0x7D;
	s5 =	sand.u32 $0x1, s0  }
0x5: {  	s18 =	simm.s32 $0x1;
	s0 =	stileid.u32;
	s4 =	smul.u32 $0x50000, s5  }
0x6: {  	s19 =	simm.s32 $0x6800;
	s20 =	simm.s32 $0x2;
	s7 =	smul.u32 $0x5000, s0  }
0x7: {  	s21 =	simm.s32 $0x1380;
	s22 =	simm.s32 $0x2700;
	s8 =	smul.u32 $0x13C000, s5  }
0x8: {  	s23 =	simm.s32 $0x2780;
	s24 =	simm.s32 $0x0;
	s28 =	smul.u32 $0x13C00, s0  }
0x9: {  	[smem:$0x7FF] =	sst s3;
	s10 =	smul.u32 $0x4F000, s0;
	s29 =	ssub.s32 $0x2, s5  }
0xa: {  	_ =	strace $0x80000047;
	s31 =	sshrl.u32 s29, $0x1;
	s4 =	sadd.s32 s7, s4  }
0xb: {  	s7 =	sadd.s32 s28, s8;
	s30 =	sshrl.u32 s10, $0x2;
	s8 =	ssub.s32 s29, s31  }
0xc: {  	s9 =	sshrl.u32 s4, $0x3;
	s4 =	sadd.s32 $0x1E00, s6;
	s7 =	sshrl.u32 s7, $0x3  }
0xd: {  	s5 =	sadd.s32 s30, s2;
	s8 =	smax.u32 s8, $0x1;
	s14 =	sadd.s32 s9, s6  }
0xe: {  	s7 =	sadd.s32 s7, s6;
	s6 =	sadd.s32 $0x12C00, s5;
	s9 =	sadd.s32 $0x3C00, s5  }
0xf: {  	s10 =	sadd.s32 $0x7800, s5;
	s11 =	sadd.s32 $0xB400, s5;
	s12 =	sadd.s32 $0xF000, s5  }
0x10: {  	v0 =	vimm.f32 $0.0e+00;
	s7 =	sadd.s32 $0xB2200, s7;
	s13 =	sadd.s32 $0x9E200, s14;
	s14 =	sadd.s32 $0x9E700, s14  }
.LBB2_1:
0x11: {  	s25 =	simm.s32 $0x70;
	s26 =	simm.s32 $0x3C0  }
.LBB2_2:
0x12: {  	p0 =	sne.s32 s26, $0xEFC0;
	[tilespmem:s25+$0x2800] =	vst v0  }
0x13: {  	[tilespmem:s25+$0x2790] =	vst v0  }
0x14: {  	[tilespmem:s25+$0x27A0] =	vst v0  }
.Ltmp0:
0x15: {  	[tilespmem:s25+$0x27B0] =	vst v0;
	(pc) =	sbr.rel @p0 .LBB2_2-.Ltmp0, $4  }
0x16: {  	[tilespmem:s25+$0x27C0] =	vst v0  }
0x17: {  	[tilespmem:s25+$0x27D0] =	vst v0  }
0x18: {  	[tilespmem:s25+$0x27E0] =	vst v0  }
0x19: {  	[tilespmem:s25+$0x27F0] =	vst v0;
	s25 =	sshra.s32 s26, $0x2;
	s26 =	sadd.s32 $0x200, s26  }
0x1a: {  	[tilespmem:s25+$0x2800] =	vst v0  }
0x1b: {  	[tilespmem:s25+$0x2790] =	vst v0  }
0x1c: {  	[tilespmem:s25+$0x27A0] =	vst v0  }
0x1d: {  	[tilespmem:s25+$0x27B0] =	vst v0  }
0x1e: {  	[tilespmem:s25+$0x27C0] =	vst v0  }
0x1f: {  	[tilespmem:s25+$0x27D0] =	vst v0  }
0x20: {  	[tilespmem:s25+$0x27E0] =	vst v0  }
0x21: {  	[tilespmem:s25+$0x27F0] =	vst v0  }
0x22: {  	[spmem:s5] =	stream.linear.scatter [tilespmem:s15], [sflag:$0x3], $0x3C00, $0x38;
	[tilespmem:$0x1E400] =	vst v63  }
0x23: {  	_ =	swait.ge [sflag:s16], $0x3C00  }
0x24: {  	[sflag:s16] =	ssyncset.done $0x0  }
0x25: {  	[sflag:s16] =	ssyncadd.s32 $0xFFFFC400  }
0x26: {  	[spmem:s9] =	stream.linear.scatter [tilespmem:s15], [sflag:$0x3], $0x3C00, $0x38;
	[tilespmem:$0x1E400] =	vst v63  }
0x27: {  	_ =	swait.ge [sflag:s16], $0x3C00  }
0x28: {  	[sflag:s16] =	ssyncset.done $0x0  }
0x29: {  	[sflag:s16] =	ssyncadd.s32 $0xFFFFC400  }
0x2a: {  	[spmem:s10] =	stream.linear.scatter [tilespmem:s15], [sflag:$0x3], $0x3C00, $0x38;
	[tilespmem:$0x1E400] =	vst v63  }
0x2b: {  	_ =	swait.ge [sflag:s16], $0x3C00  }
0x2c: {  	[sflag:s16] =	ssyncset.done $0x0  }
0x2d: {  	[sflag:s16] =	ssyncadd.s32 $0xFFFFC400  }
0x2e: {  	[spmem:s11] =	stream.linear.scatter [tilespmem:s15], [sflag:$0x3], $0x3C00, $0x38;
	[tilespmem:$0x1E400] =	vst v63  }
0x2f: {  	_ =	swait.ge [sflag:s16], $0x3C00  }
0x30: {  	[sflag:s16] =	ssyncset.done $0x0  }
0x31: {  	[sflag:s16] =	ssyncadd.s32 $0xFFFFC400  }
0x32: {  	[spmem:s12] =	stream.linear.scatter [tilespmem:s15], [sflag:$0x3], $0x3C00, $0x38;
	[tilespmem:$0x1E400] =	vst v63  }
0x33: {  	_ =	swait.ge [sflag:s16], $0x3C00  }
0x34: {  	[sflag:s16] =	ssyncset.done $0x0  }
0x35: {  	[sflag:s16] =	ssyncadd.s32 $0xFFFFC400  }
0x36: {  	[spmem:s6] =	stream.linear.scatter [tilespmem:s15], [sflag:$0x3], $0x1000, $0x38;
	[tilespmem:$0x1E400] =	vst v63  }
0x37: {  	_ =	swait.ge [sflag:s16], $0x1000  }
0x38: {  	[sflag:s16] =	ssyncset.done $0x0  }
0x39: {  	[sflag:s16] =	ssyncadd.s32 $0xFFFFF000  }
0x3a: {  	[bflag:$0x0] =	sbarrier.arrive $0xFFFF  }
0x3b: {  	[tilespmem:s3], [sflag:$0x3] =	stream.linear.gather [hbm4b:s13+s3], $0x2800, $0x38;
	[tilespmem:$0x1E400] =	vst v63  }
0x3c: {  	_ =	swait.ge [sflag:s16], $0x2800  }
0x3d: {  	[sflag:s16] =	ssyncset.done $0x0  }
0x3e: {  	[sflag:s16] =	ssyncadd.s32 $0xFFFFD800  }
0x3f: {  	[tilespmem:s15], [sflag:$0x1] =	stream.indirect.gather [hbm4b:s4+s17], $0x80, s3, s17, $0xb8;
	[tilespmem:$0x1E400] =	vst v63  }
0x40: {  	_ =	swait.ge [sflag:s18], $0x3E80  }
0x41: {  	[sflag:s18] =	ssyncset.done $0x0  }
0x42: {  	s28 =	simm.s32 $0x80;
	[sflag:s18] =	ssyncadd.s32 $0xFFFFC180  }
0x43: {  	[tilespmem:s19], [sflag:$0x2] =	stream.indirect.gather [hbm4b:s4+s17], $0x80, s28, s17, $0xb8;
	[tilespmem:$0x1E400] =	vst v63  }
0x44: {  	s29 =	simm.s32 $0x1400  }
0x45: {  	[spmem:s2] =	stream.indirect.scatter.add.f32 [tilespmem:s15], [sflag:$0x3], $0x80, s29, s17, $0xb8;
	[tilespmem:$0x1E400] =	vst v63  }
0x46: {  	_ =	swait.ge [sflag:s16], $0x3E80  }
0x47: {  	[sflag:s16] =	ssyncset.done $0x0  }
0x48: {  	[sflag:s16] =	ssyncadd.s32 $0xFFFFC180  }
0x49: {  	_ =	swait.ge [sflag:s20], $0x3E80  }
0x4a: {  	[sflag:s20] =	ssyncset.done $0x0  }
0x4b: {  	s30 =	simm.s32 $0x100;
	[sflag:s20] =	ssyncadd.s32 $0xFFFFC180  }
0x4c: {  	[tilespmem:s15], [sflag:$0x1] =	stream.indirect.gather [hbm4b:s4+s17], $0x80, s30, s17, $0xb8;
	[tilespmem:$0x1E400] =	vst v63  }
0x4d: {  	s31 =	simm.s32 $0x1480  }
0x4e: {  	[spmem:s2] =	stream.indirect.scatter.add.f32 [tilespmem:s19], [sflag:$0x3], $0x80, s31, s17, $0xb8;
	[tilespmem:$0x1E400] =	vst v63  }
0x4f: {  	_ =	swait.ge [sflag:s16], $0x3E80  }
0x50: {  	s25 =	simm.s32 $0x800;
	[sflag:s16] =	ssyncset.done $0x0  }
.LBB2_4:
0x51: {  	p0 =	sne.s32 s25, $0x4C00  }
0x52: {  	[sflag:s16] =	ssyncadd.s32 $0xFFFFC180;
	s26 =	smov.u32 s25;
	s25 =	sadd.s32 $0x400, s25  }
0x53: {  	_ = 	snop  }
0x54: {  	_ =	swait.ge [sflag:s18], $0x3E80  }
0x55: {  	s26 =	sshra.s32 s26, $0x2;
	[sflag:s18] =	ssyncset.done $0x0  }
0x56: {  	s28 =	sadd.s32 $0xFFFFFF80, s26;
	[sflag:s18] =	ssyncadd.s32 $0xFFFFC180  }
0x57: {  	[tilespmem:s19], [sflag:$0x2] =	stream.indirect.gather [hbm4b:s4+s17], $0x80, s28, s17, $0xb8;
	[tilespmem:$0x1E400] =	vst v63  }
0x58: {  	s28 =	sadd.s32 $0x1300, s26  }
0x59: {  	[spmem:s2] =	stream.indirect.scatter.add.f32 [tilespmem:s15], [sflag:$0x3], $0x80, s28, s17, $0xb8;
	[tilespmem:$0x1E400] =	vst v63  }
0x5a: {  	_ =	swait.ge [sflag:s16], $0x3E80  }
0x5b: {  	[sflag:s16] =	ssyncset.done $0x0  }
0x5c: {  	[sflag:s16] =	ssyncadd.s32 $0xFFFFC180  }
0x5d: {  	_ =	swait.ge [sflag:s20], $0x3E80  }
0x5e: {  	[sflag:s20] =	ssyncset.done $0x0  }
0x5f: {  	[sflag:s20] =	ssyncadd.s32 $0xFFFFC180  }
0x60: {  	[tilespmem:s15], [sflag:$0x1] =	stream.indirect.gather [hbm4b:s4+s17], $0x80, s26, s17, $0xb8;
	[tilespmem:$0x1E400] =	vst v63  }
.Ltmp1:
0x61: {  	_ = 	snop;
	(pc) =	sbr.rel @p0 .LBB2_4-.Ltmp1, $4  }
0x62: {  	s26 =	sadd.s32 $0x1380, s26  }
0x63: {  	[spmem:s2] =	stream.indirect.scatter.add.f32 [tilespmem:s19], [sflag:$0x3], $0x80, s26, s17, $0xb8;
	[tilespmem:$0x1E400] =	vst v63  }
0x64: {  	_ =	swait.ge [sflag:s16], $0x3E80  }
0x65: {  	[sflag:s16] =	ssyncset.done $0x0  }
0x66: {  	[sflag:s16] =	ssyncadd.s32 $0xFFFFC180  }
0x67: {  	_ =	swait.ge [sflag:s18], $0x3E80  }
0x68: {  	[sflag:s18] =	ssyncset.done $0x0  }
0x69: {  	[sflag:s18] =	ssyncadd.s32 $0xFFFFC180  }
0x6a: {  	[tilespmem:s19], [sflag:$0x2] =	stream.indirect.gather [hbm4b:s4+s17], $0x80, s21, s17, $0xb8;
	[tilespmem:$0x1E400] =	vst v63  }
0x6b: {  	_ = 	snop  }
0x6c: {  	[spmem:s2] =	stream.indirect.scatter.add.f32 [tilespmem:s15], [sflag:$0x3], $0x80, s22, s17, $0xb8;
	[tilespmem:$0x1E400] =	vst v63  }
0x6d: {  	_ =	swait.ge [sflag:s16], $0x3E80  }
0x6e: {  	[sflag:s16] =	ssyncset.done $0x0  }
0x6f: {  	[sflag:s16] =	ssyncadd.s32 $0xFFFFC180  }
0x70: {  	_ =	swait.ge [sflag:s20], $0x3E80  }
0x71: {  	[sflag:s20] =	ssyncset.done $0x0  }
0x72: {  	[sflag:s20] =	ssyncadd.s32 $0xFFFFC180  }
0x73: {  	[spmem:s2] =	stream.indirect.scatter.add.f32 [tilespmem:s19], [sflag:$0x3], $0x80, s23, s17, $0xb8;
	[tilespmem:$0x1E400] =	vst v63  }
0x74: {  	_ =	swait.ge [sflag:s16], $0x3E80  }
0x75: {  	[sflag:s16] =	ssyncset.done $0x0  }
0x76: {  	[sflag:s16] =	ssyncadd.s32 $0xFFFFC180  }
0x77: {  	[tilespmem:s3], [sflag:$0x3] =	stream.linear.gather [hbm4b:s14+s3], $0x2800, $0x38;
	[tilespmem:$0x1E400] =	vst v63  }
0x78: {  	_ =	swait.ge [sflag:s16], $0x2800  }
0x79: {  	[sflag:s16] =	ssyncset.done $0x0  }
0x7a: {  	[sflag:s16] =	ssyncadd.s32 $0xFFFFD800  }
0x7b: {  	[tilespmem:s15], [sflag:$0x1] =	stream.indirect.gather [hbm4b:s4+s17], $0x80, s3, s17, $0xb8;
	[tilespmem:$0x1E400] =	vst v63  }
0x7c: {  	_ =	swait.ge [sflag:s18], $0x3E80  }
0x7d: {  	[sflag:s18] =	ssyncset.done $0x0  }
0x7e: {  	s25 =	simm.s32 $0x80;
	[sflag:s18] =	ssyncadd.s32 $0xFFFFC180  }
0x7f: {  	[tilespmem:s19], [sflag:$0x2] =	stream.indirect.gather [hbm4b:s4+s17], $0x80, s25, s17, $0xb8;
	[tilespmem:$0x1E400] =	vst v63  }
0x80: {  	s29 =	simm.s32 $0x1400  }
0x81: {  	[spmem:s2] =	stream.indirect.scatter.add.f32 [tilespmem:s15], [sflag:$0x3], $0x80, s29, s17, $0xb8;
	[tilespmem:$0x1E400] =	vst v63  }
0x82: {  	_ =	swait.ge [sflag:s16], $0x3E80  }
0x83: {  	[sflag:s16] =	ssyncset.done $0x0  }
0x84: {  	[sflag:s16] =	ssyncadd.s32 $0xFFFFC180  }
0x85: {  	_ =	swait.ge [sflag:s20], $0x3E80  }
0x86: {  	[sflag:s20] =	ssyncset.done $0x0  }
0x87: {  	s30 =	simm.s32 $0x100;
	[sflag:s20] =	ssyncadd.s32 $0xFFFFC180  }
0x88: {  	[tilespmem:s15], [sflag:$0x1] =	stream.indirect.gather [hbm4b:s4+s17], $0x80, s30, s17, $0xb8;
	[tilespmem:$0x1E400] =	vst v63  }
0x89: {  	s31 =	simm.s32 $0x1480  }
0x8a: {  	[spmem:s2] =	stream.indirect.scatter.add.f32 [tilespmem:s19], [sflag:$0x3], $0x80, s31, s17, $0xb8;
	[tilespmem:$0x1E400] =	vst v63  }
0x8b: {  	_ =	swait.ge [sflag:s16], $0x3E80  }
0x8c: {  	s25 =	simm.s32 $0x800;
	[sflag:s16] =	ssyncset.done $0x0  }
.LBB2_6:
0x8d: {  	p0 =	sne.s32 s25, $0x4C00  }
0x8e: {  	[sflag:s16] =	ssyncadd.s32 $0xFFFFC180;
	s26 =	smov.u32 s25;
	s25 =	sadd.s32 $0x400, s25  }
0x8f: {  	_ = 	snop  }
0x90: {  	_ =	swait.ge [sflag:s18], $0x3E80  }
0x91: {  	s26 =	sshra.s32 s26, $0x2;
	[sflag:s18] =	ssyncset.done $0x0  }
0x92: {  	s28 =	sadd.s32 $0xFFFFFF80, s26;
	[sflag:s18] =	ssyncadd.s32 $0xFFFFC180  }
0x93: {  	[tilespmem:s19], [sflag:$0x2] =	stream.indirect.gather [hbm4b:s4+s17], $0x80, s28, s17, $0xb8;
	[tilespmem:$0x1E400] =	vst v63  }
0x94: {  	s28 =	sadd.s32 $0x1300, s26  }
0x95: {  	[spmem:s2] =	stream.indirect.scatter.add.f32 [tilespmem:s15], [sflag:$0x3], $0x80, s28, s17, $0xb8;
	[tilespmem:$0x1E400] =	vst v63  }
0x96: {  	_ =	swait.ge [sflag:s16], $0x3E80  }
0x97: {  	[sflag:s16] =	ssyncset.done $0x0  }
0x98: {  	[sflag:s16] =	ssyncadd.s32 $0xFFFFC180  }
0x99: {  	_ =	swait.ge [sflag:s20], $0x3E80  }
0x9a: {  	[sflag:s20] =	ssyncset.done $0x0  }
0x9b: {  	[sflag:s20] =	ssyncadd.s32 $0xFFFFC180  }
0x9c: {  	[tilespmem:s15], [sflag:$0x1] =	stream.indirect.gather [hbm4b:s4+s17], $0x80, s26, s17, $0xb8;
	[tilespmem:$0x1E400] =	vst v63  }
.Ltmp2:
0x9d: {  	_ = 	snop;
	(pc) =	sbr.rel @p0 .LBB2_6-.Ltmp2, $4  }
0x9e: {  	s26 =	sadd.s32 $0x1380, s26  }
0x9f: {  	[spmem:s2] =	stream.indirect.scatter.add.f32 [tilespmem:s19], [sflag:$0x3], $0x80, s26, s17, $0xb8;
	[tilespmem:$0x1E400] =	vst v63  }
0xa0: {  	_ =	swait.ge [sflag:s16], $0x3E80  }
0xa1: {  	[sflag:s16] =	ssyncset.done $0x0  }
0xa2: {  	[sflag:s16] =	ssyncadd.s32 $0xFFFFC180  }
0xa3: {  	_ =	swait.ge [sflag:s18], $0x3E80  }
0xa4: {  	[sflag:s18] =	ssyncset.done $0x0  }
0xa5: {  	[sflag:s18] =	ssyncadd.s32 $0xFFFFC180  }
0xa6: {  	[tilespmem:s19], [sflag:$0x2] =	stream.indirect.gather [hbm4b:s4+s17], $0x80, s21, s17, $0xb8;
	[tilespmem:$0x1E400] =	vst v63  }
0xa7: {  	_ = 	snop  }
0xa8: {  	[spmem:s2] =	stream.indirect.scatter.add.f32 [tilespmem:s15], [sflag:$0x3], $0x80, s22, s17, $0xb8;
	[tilespmem:$0x1E400] =	vst v63  }
0xa9: {  	_ =	swait.ge [sflag:s16], $0x3E80  }
0xaa: {  	[sflag:s16] =	ssyncset.done $0x0  }
0xab: {  	[sflag:s16] =	ssyncadd.s32 $0xFFFFC180  }
0xac: {  	_ =	swait.ge [sflag:s20], $0x3E80  }
0xad: {  	[sflag:s20] =	ssyncset.done $0x0  }
0xae: {  	[sflag:s20] =	ssyncadd.s32 $0xFFFFC180  }
0xaf: {  	[spmem:s2] =	stream.indirect.scatter.add.f32 [tilespmem:s19], [sflag:$0x3], $0x80, s23, s17, $0xb8;
	[tilespmem:$0x1E400] =	vst v63  }
0xb0: {  	_ =	swait.ge [sflag:s16], $0x3E80  }
0xb1: {  	s25 =	sshll.u32 s0, $0x6;
	s24 =	sadd.s32 $0x1, s24;
	[sflag:s16] =	ssyncset.done $0x0  }
0xb2: {  	s26 =	sshrl.u32 s5, $0x3;
	p0 =	sne.s32 s24, s8;
	[sflag:s16] =	ssyncadd.s32 $0xFFFFC180  }
.Ltmp3:
0xb3: {  	s25 =	sor.u32 $0x1C03, s25;
	[bflag:$0x0] =	sbarrier.arrive $0xFFFF;
	(pc) =	sbr.rel @p0 .LBB2_1-.Ltmp3, $4  }
0xb4: {  	[hbm:s7], [sflag:s25] =	dma.local [spmem:s26], $0x2780  }
0xb5: {  	_ =	swait.ge [sflag:s16], $0x2780  }
0xb6: {  	[sflag:s16] =	ssyncset.done $0x0  }
0xb7: {  	[sflag:s16] =	ssyncadd.s32 $0xFFFFD880  }
0xb8: {  	_ =	sfence.sel $0x180000  }
0xb9: {  	[bflag:$0x0] =	sbarrier.arrive $0xFFFF  }
0xba: {  	p0 =	sne.s32 s0, $0x0;
	_ =	strace $0x90000047  }
0xbb: {  	s0 =	sadd.s32 @!p0 $0x100000, s1;
	[bflag:$0x2] =	sbarrier.arrive $0xFFFF  }
0xbc: {  	[sflag:s0] =	ssyncadd.tile.s32 @!p0 $0x1;
	_ =	shalt  }
.Lfunc_end2:
_tile_overlayer_lowered:
.L_overlay_start_2:
0xbd: {  	(tag) =	ssettag $0x2  }
0xbe: {  	s0 =	rddreg [dreg:$0x0];
	s2 =	stileid.u32  }
0xbf: {  	s1 =	rddreg [dreg:$0x1];
	p0 =	sne.s32 s2, $0x0  }
0xc0: {  	s3 =	rddreg [dreg:$0x2];
	[bflag:$0x3] =	sbarrier.arrive $0xFFFF;
	s2 =	simm.s32 @!p0 $0x1C03  }
0xc1: {  	[timem:s3], [sflag:s2] =	dma.local @!p0 [hbm:s0], s1  }
0xc2: {  	s0 =	simm.s32 @!p0 $0x3  }
0xc3: {  	_ =	swait.ge @!p0 [sflag:s0], s1  }
0xc4: {  	s1 =	ssub.s32 @!p0 $0x0, s1;
	[sflag:s0] =	ssyncset.done @!p0 $0x0  }
0xc5: {  	[sflag:s0] =	ssyncadd.s32 @!p0 s1  }
0xc6: {  	[bflag:$0x3] =	sbarrier.arrive $0xFFFF  }
0xc7: {  	_ =	shalt  }

</sc_bundles>
